<compile_context>
chip_gen: v7x
topology: tpu7x:2x2x1
jax: 0.10.2.dev20260603
libtpu: 0.0.44.dev20260713+nightly
codegen_flags: <defaults>
</compile_context>

<pallas_src>
import functools

import jax
import jax.numpy as jnp
from jax import lax
from jax.experimental import pallas as pl
from jax.experimental.pallas import tpu as pltpu
from jax.experimental.pallas import tpu_sc as plsc

N = 65536
D = 512
H = 1024

NW = 32
RPW = N // NW
GCH = 64
LOGGCH = 6
HALF = N // 2
BM = 1024
LOGBM = 10
NSTEPS = N // BM

_INV_SQRT2 = 0.7071067811865476

_MESH = plsc.VectorSubcoreMesh(core_axis_name="c", subcore_axis_name="s")



@functools.partial(
    pl.kernel,
    out_type=[
        jax.ShapeDtypeStruct((NW, RPW), jnp.int32),
        jax.ShapeDtypeStruct((NW, 16), jnp.int32),
    ],
    mesh=_MESH,
    compiler_params=pltpu.CompilerParams(needs_layout_passes=False),
    scratch_types=[
        pltpu.VMEM((RPW,), jnp.int32),
        pltpu.VMEM((RPW,), jnp.int32),
        pltpu.VMEM((16,), jnp.int32),
        pltpu.VMEM((16,), jnp.int32),
    ],
)
def _compact(ids_hbm, task_hbm, idx_hbm, cnts_hbm,
             ids_v, idx_v, task_v, cnt_v):
    cid = lax.axis_index("c")
    sid = lax.axis_index("s")
    wid = sid * 2 + cid
    base = wid * RPW
    pltpu.sync_copy(ids_hbm.at[pl.ds(base, RPW)], ids_v)
    pltpu.sync_copy(task_hbm, task_v)
    t = task_v[...]
    lanes = lax.iota(jnp.int32, 16)
    zeros16 = jnp.zeros((16,), jnp.int32)

    def _zero(i, c):
        idx_v[pl.ds(i * 16, 16)] = zeros16
        return c

    lax.fori_loop(0, RPW // 16, _zero, 0)

    def _step(i, ofs):
        v = ids_v[pl.ds(i * 16, 16)]
        m = v == t
        rows = (base + i * 16) + lanes
        cs = plsc.cumsum(jnp.where(m, zeros16 + 1, zeros16))
        pos = ofs + cs - 1
        plsc.store_scatter(idx_v, [pos], rows, mask=m)
        return ofs + jnp.sum(jnp.where(m, zeros16 + 1, zeros16), axis=0)

    ofs = lax.fori_loop(0, RPW // 16, _step, jnp.zeros((16,), jnp.int32))
    cnt_v[...] = ofs
    pltpu.sync_copy(cnt_v, cnts_hbm.at[wid])
    pltpu.sync_copy(idx_v, idx_hbm.at[wid])


@functools.partial(
    pl.kernel,
    out_type=jax.ShapeDtypeStruct((N, D), jnp.float32),
    mesh=_MESH,
    compiler_params=pltpu.CompilerParams(needs_layout_passes=False),
    scratch_types=[
        pltpu.VMEM((RPW,), jnp.int32),
        pltpu.VMEM((16,), jnp.int32),
        pltpu.VMEM((16,), jnp.int32),
        pltpu.VMEM((2, GCH, D), jnp.float32),
        pltpu.SemaphoreType.DMA((2, GCH // 16)),
        pltpu.SemaphoreType.DMA((2,)),
    ],
)
def _gather(x0_hbm, idx_hbm, cnts_hbm, offs_hbm, xg_hbm,
            idx_v, cnt_v, off_v, rows_v, gsem, wsem):
    cid = lax.axis_index("c")
    sid = lax.axis_index("s")
    wid = sid * 2 + cid
    pltpu.sync_copy(idx_hbm.at[wid], idx_v)
    pltpu.sync_copy(cnts_hbm.at[wid], cnt_v)
    pltpu.sync_copy(offs_hbm.at[wid], off_v)
    cnt = jnp.max(cnt_v[...], axis=0)
    off = jnp.max(off_v[...], axis=0)
    nch = (cnt + GCH - 1) >> LOGGCH
    cbase = pl.multiple_of(cid * HALF + off, 8)

    def _gk(c, p, k):
        return pltpu.make_async_copy(
            x0_hbm.at[idx_v.at[pl.ds(c * GCH + k * 16, 16)]],
            rows_v.at[p, pl.ds(k * 16, 16)], gsem.at[p, k])

    def _g_start(c, p):
        for k in range(GCH // 16):
            _gk(c, p, k).start()

    def _g_wait(c, p):
        for k in range(GCH // 16):
            _gk(c, p, k).wait()

    def _w(c, p):
        return pltpu.make_async_copy(
            rows_v.at[p], xg_hbm.at[pl.ds(cbase + c * GCH, GCH)],
            wsem.at[p])

    @pl.when(nch > 0)
    def _():
        _g_start(0, 0)

    def _chunk(c, carry):
        p = c & 1
        _g_wait(c, p)

        @pl.when(c >= 1)
        def _():
            _w(c - 1, 1 - p).wait()
        _w(c, p).start()

        @pl.when(c + 1 < nch)
        def _():
            _g_start(c + 1, 1 - p)
        return carry

    lax.fori_loop(0, nch, _chunk, 0)

    @pl.when(nch > 0)
    def _():
        _w(nch - 1, (nch - 1) & 1).wait()



def _mlp_body(s_ref, w1_ref, b1_ref, w2_ref, b2_ref, x_any, hc_ref,
              xb, sem):
    i = pl.program_id(0)
    na0 = (s_ref[0] + BM - 1) >> LOGBM
    na1 = (s_ref[1] + BM - 1) >> LOGBM
    na = na0 + na1

    def base_of(j):
        return pl.multiple_of(
            jnp.where(j < na0, j << LOGBM, HALF + ((j - na0) << LOGBM)), BM)

    def start(j, p):
        pltpu.make_async_copy(x_any.at[pl.ds(base_of(j), BM), :],
                              xb.at[p], sem.at[p]).start()

    @pl.when(i == 0)
    def _():
        @pl.when(na > 0)
        def _():
            start(0, 0)

        @pl.when(na > 1)
        def _():
            start(1, 1)

        @pl.when(na > 2)
        def _():
            start(2, 2)

    @pl.when(i < na)
    def _():
        @pl.when(i + 3 < na)
        def _():
            start(i + 3, (i + 3) % 4)
        p = i % 4
        pltpu.make_async_copy(x_any.at[pl.ds(base_of(i), BM), :],
                              xb.at[p], sem.at[p]).wait()
        x = xb[p]
        h = jnp.dot(x, w1_ref[...], preferred_element_type=jnp.float32)
        h = h + b1_ref[...]
        g = 0.5 * h * (1.0 + jax.lax.erf(h * _INV_SQRT2))
        o = jnp.sum(g * w2_ref[...], axis=1) + b2_ref[0]
        hc_ref[pl.ds(base_of(i), BM)] = o


def _mlp_stream(tot2, xg, W1, b1r, w2r, b2f):
    grid_spec = pltpu.PrefetchScalarGridSpec(
        num_scalar_prefetch=1,
        grid=(NSTEPS,),
        in_specs=[
            pl.BlockSpec((D, H), lambda i, s: (0, 0)),
            pl.BlockSpec((1, H), lambda i, s: (0, 0)),
            pl.BlockSpec((1, H), lambda i, s: (0, 0)),
            pl.BlockSpec(memory_space=pltpu.SMEM),
            pl.BlockSpec(memory_space=pl.ANY),
        ],
        out_specs=pl.BlockSpec((N,), lambda i, s: (0,)),
        scratch_shapes=[
            pltpu.VMEM((4, BM, D), jnp.float32),
            pltpu.SemaphoreType.DMA((4,)),
        ],
    )
    return pl.pallas_call(
        _mlp_body,
        grid_spec=grid_spec,
        out_shape=jax.ShapeDtypeStruct((N,), jnp.float32),
    )(tot2, W1, b1r, w2r, b2f, xg)



@functools.partial(
    pl.kernel,
    out_type=jax.ShapeDtypeStruct((N,), jnp.float32),
    mesh=_MESH,
    compiler_params=pltpu.CompilerParams(needs_layout_passes=False),
    scratch_types=[
        pltpu.VMEM((RPW,), jnp.int32),
        pltpu.VMEM((RPW,), jnp.float32),
        pltpu.VMEM((RPW,), jnp.float32),
        pltpu.VMEM((16,), jnp.int32),
        pltpu.VMEM((16,), jnp.int32),
    ],
)
def _scatter_back(idx_hbm, cnts_hbm, offs_hbm, hc_hbm, ob_hbm, out_hbm,
                  idx_v, hv_v, ob_v, cnt_v, off_v):
    cid = lax.axis_index("c")
    sid = lax.axis_index("s")
    wid = sid * 2 + cid
    base = wid * RPW
    pltpu.sync_copy(cnts_hbm.at[wid], cnt_v)
    pltpu.sync_copy(offs_hbm.at[wid], off_v)
    pltpu.sync_copy(ob_hbm.at[pl.ds(base, RPW)], ob_v)
    pltpu.sync_copy(idx_hbm.at[wid], idx_v)
    cnt = jnp.max(cnt_v[...], axis=0)
    off = jnp.max(off_v[...], axis=0)
    hoff = pl.multiple_of(cid * HALF + off, 8)
    pltpu.sync_copy(hc_hbm.at[pl.ds(hoff, RPW)], hv_v)
    lanes = lax.iota(jnp.int32, 16)

    def _scatter(j, carry):
        pos = idx_v[pl.ds(j * 16, 16)] - base
        vals = hv_v[pl.ds(j * 16, 16)]
        valid = (j * 16 + lanes) < cnt
        plsc.store_scatter(ob_v, [pos], vals, mask=valid)
        return carry

    lax.fori_loop(0, (cnt + 15) >> 4, _scatter, 0)
    pltpu.sync_copy(ob_v, out_hbm.at[pl.ds(base, RPW)])



def kernel(x0, task_ids, out_buf, task, W1, b1, W2, b2):
    ids = task_ids.reshape(N).astype(jnp.int32)
    taskv = jnp.full((16,), task, jnp.int32)
    idxm, counts = _compact(ids, taskv)
    padded = (((counts[:, 0] + GCH - 1) // GCH) * GCH).reshape(16, 2)
    excl = jnp.cumsum(padded, axis=0) - padded
    offs = jnp.broadcast_to(excl.reshape(NW, 1), (NW, 16)).astype(jnp.int32)
    tot2 = padded.sum(axis=0).astype(jnp.int32)
    xg = _gather(x0, idxm, counts, offs)
    hc = _mlp_stream(tot2, xg, W1, b1.reshape(1, H), W2.reshape(1, H),
                     b2.reshape(1))
    out = _scatter_back(idxm, counts, offs, hc, out_buf.reshape(N))
    return out.reshape(N, 1)

# --- scband reference (transcript-rebuilt; emitter-appended) ---
"""Pipeline reference for scband-material-head-18674517803558 (READ-ONLY COPY).

The authoritative reference and input builder live on the scoring server;
editing this copy changes nothing except your own understanding.
"""

import jax, jax.numpy as jnp
import numpy as np

N = 65536
D = 512
H = 1024

def setup_inputs(seed: int = 0) -> dict:
    key = jax.random.key(seed)
    k0, k1, k2, k3 = jax.random.split(key, 4)
    x0 = jax.random.normal(k0, (N, D), dtype=jnp.float32)
    task_ids = jax.random.randint(k1, (N,), 0, 8, dtype=jnp.int64)
    out_buf = jnp.zeros((N, 1), dtype=jnp.float32)
    # learned parameters of nn.Sequential(Linear(D,H), GELU, Linear(H,1))
    W1 = jax.random.normal(k2, (D, H), dtype=jnp.float32) * (1.0 / np.sqrt(D))
    b1 = jnp.zeros((H,), dtype=jnp.float32)
    W2 = jax.random.normal(k3, (H, 1), dtype=jnp.float32) * (1.0 / np.sqrt(H))
    b2 = jnp.zeros((1,), dtype=jnp.float32)
    return {"x0": x0, "task_ids": task_ids, "out_buf": out_buf, "task": 3,
            "W1": W1, "b1": b1, "W2": W2, "b2": b2}

def reference(x0, task_ids, out_buf, task, W1, b1, W2, b2):
    # s = torch.where(x[1] == self.task)[0]
    mask = task_ids == task
    # x[2][s] = self.head(x[0][s])  -- gather, MLP with exact GELU, scatter-overwrite
    h = jax.nn.gelu(x0 @ W1 + b1, approximate=False) @ W2 + b2
    out = jnp.where(mask[:, None], h, out_buf)
    return out

if __name__ == "__main__":
    import jax
    _d = setup_inputs()
    print(jax.jit(kernel)(*tuple(_d.values())))

</pallas_src>

<mosaic_0001>
#map = affine_map<(d0, d1) -> (0, 0)>
module attributes {stable_mosaic.version = 14 : i64} {
  func.func @_gather(%arg0: i32, %arg1: i32, %arg2: memref<65536x512xf32, #tpu.memory_space<hbm>>, %arg3: memref<32x2048xi32, #tpu.memory_space<hbm>>, %arg4: memref<32x16xi32, #tpu.memory_space<hbm>>, %arg5: memref<32x16xi32, #tpu.memory_space<hbm>>, %arg6: memref<65536x512xf32, #tpu.memory_space<hbm>>, %arg7: memref<2048xi32, #tpu.memory_space<vmem>>, %arg8: memref<16xi32, #tpu.memory_space<vmem>>, %arg9: memref<16xi32, #tpu.memory_space<vmem>>, %arg10: memref<2x64x512xf32, #tpu.memory_space<vmem>>, %arg11: memref<2x4x!tpu.dma_semaphore, #tpu.memory_space<semaphore_mem>>, %arg12: memref<2x!tpu.dma_semaphore, #tpu.memory_space<semaphore_mem>>) attributes {dimension_semantics = [#tpu.dimension_semantics<core_parallel>, #tpu.dimension_semantics<subcore_parallel>], iteration_bounds = array<i64: 2, 16>, scalar_prefetch = 0 : i64, scratch_operands = 6 : i64, tpu.core_type = #tpu.core_type<sc_vector_subcore>, window_params = [{transform_indices = #map}, {transform_indices = #map}, {transform_indices = #map}, {transform_indices = #map}, {transform_indices = #map}]} {
    %mul3A = arith.constant 2 : i32
    %mul3A_0 = arith.muli %arg1, %mul3A : i32
    %add3A = arith.addi %mul3A_0, %arg0 : i32
    "tpu.region"() ({
      %run_scoped3A = tpu.sem_alloc : memref<!tpu.dma_semaphore, #tpu.memory_space<semaphore_mem>>
      %dma_start3A = arith.constant 0 : i32
      %dma_start3A_42 = tpu.memref_slice %arg3[%add3A, %dma_start3A] : memref<32x2048xi32, #tpu.memory_space<hbm>> -> memref<1x2048xi32, #tpu.memory_space<hbm>>
      %dma_start3A_43 = tpu.memref_squeeze %dma_start3A_42 : memref<1x2048xi32, #tpu.memory_space<hbm>> -> memref<2048xi32, #tpu.memory_space<hbm>>
      %dma_start3A_44 = arith.constant 0 : i32
      %dma_start3A_45 = tpu.memref_slice %arg3[%add3A, %dma_start3A_44] : memref<32x2048xi32, #tpu.memory_space<hbm>> -> memref<1x2048xi32, #tpu.memory_space<hbm>>
      %dma_start3A_46 = tpu.memref_squeeze %dma_start3A_45 : memref<1x2048xi32, #tpu.memory_space<hbm>> -> memref<2048xi32, #tpu.memory_space<hbm>>
      tpu.enqueue_dma source(%dma_start3A_46 : memref<2048xi32, #tpu.memory_space<hbm>>) target(%arg7 : memref<2048xi32, #tpu.memory_space<vmem>>) target_semaphore(%run_scoped3A : memref<!tpu.dma_semaphore, #tpu.memory_space<semaphore_mem>>)
      %dma_wait3A = arith.constant 0 : i32
      %dma_wait3A_47 = tpu.memref_slice %arg3[%add3A, %dma_wait3A] : memref<32x2048xi32, #tpu.memory_space<hbm>> -> memref<1x2048xi32, #tpu.memory_space<hbm>>
      %dma_wait3A_48 = tpu.memref_squeeze %dma_wait3A_47 : memref<1x2048xi32, #tpu.memory_space<hbm>> -> memref<2048xi32, #tpu.memory_space<hbm>>
      %dma_wait3A_49 = arith.constant 0 : i32
      %dma_wait3A_50 = tpu.memref_slice %arg3[%add3A, %dma_wait3A_49] : memref<32x2048xi32, #tpu.memory_space<hbm>> -> memref<1x2048xi32, #tpu.memory_space<hbm>>
      %dma_wait3A_51 = tpu.memref_squeeze %dma_wait3A_50 : memref<1x2048xi32, #tpu.memory_space<hbm>> -> memref<2048xi32, #tpu.memory_space<hbm>>
      tpu.wait_dma2 semaphore(%run_scoped3A : memref<!tpu.dma_semaphore, #tpu.memory_space<semaphore_mem>>) src(%dma_wait3A_51 : memref<2048xi32, #tpu.memory_space<hbm>>) dst(%arg7 : memref<2048xi32, #tpu.memory_space<vmem>>)
      tpu.yield
    }) : () -> ()
    "tpu.region"() ({
      %run_scoped3A = tpu.sem_alloc : memref<!tpu.dma_semaphore, #tpu.memory_space<semaphore_mem>>
      %dma_start3A = arith.constant 0 : i32
      %dma_start3A_42 = tpu.memref_slice %arg4[%add3A, %dma_start3A] : memref<32x16xi32, #tpu.memory_space<hbm>> -> memref<1x16xi32, #tpu.memory_space<hbm>>
      %dma_start3A_43 = tpu.memref_squeeze %dma_start3A_42 : memref<1x16xi32, #tpu.memory_space<hbm>> -> memref<16xi32, #tpu.memory_space<hbm>>
      %dma_start3A_44 = arith.constant 0 : i32
      %dma_start3A_45 = tpu.memref_slice %arg4[%add3A, %dma_start3A_44] : memref<32x16xi32, #tpu.memory_space<hbm>> -> memref<1x16xi32, #tpu.memory_space<hbm>>
      %dma_start3A_46 = tpu.memref_squeeze %dma_start3A_45 : memref<1x16xi32, #tpu.memory_space<hbm>> -> memref<16xi32, #tpu.memory_space<hbm>>
      tpu.enqueue_dma source(%dma_start3A_46 : memref<16xi32, #tpu.memory_space<hbm>>) target(%arg8 : memref<16xi32, #tpu.memory_space<vmem>>) target_semaphore(%run_scoped3A : memref<!tpu.dma_semaphore, #tpu.memory_space<semaphore_mem>>)
      %dma_wait3A = arith.constant 0 : i32
      %dma_wait3A_47 = tpu.memref_slice %arg4[%add3A, %dma_wait3A] : memref<32x16xi32, #tpu.memory_space<hbm>> -> memref<1x16xi32, #tpu.memory_space<hbm>>
      %dma_wait3A_48 = tpu.memref_squeeze %dma_wait3A_47 : memref<1x16xi32, #tpu.memory_space<hbm>> -> memref<16xi32, #tpu.memory_space<hbm>>
      %dma_wait3A_49 = arith.constant 0 : i32
      %dma_wait3A_50 = tpu.memref_slice %arg4[%add3A, %dma_wait3A_49] : memref<32x16xi32, #tpu.memory_space<hbm>> -> memref<1x16xi32, #tpu.memory_space<hbm>>
      %dma_wait3A_51 = tpu.memref_squeeze %dma_wait3A_50 : memref<1x16xi32, #tpu.memory_space<hbm>> -> memref<16xi32, #tpu.memory_space<hbm>>
      tpu.wait_dma2 semaphore(%run_scoped3A : memref<!tpu.dma_semaphore, #tpu.memory_space<semaphore_mem>>) src(%dma_wait3A_51 : memref<16xi32, #tpu.memory_space<hbm>>) dst(%arg8 : memref<16xi32, #tpu.memory_space<vmem>>)
      tpu.yield
    }) : () -> ()
    "tpu.region"() ({
      %run_scoped3A = tpu.sem_alloc : memref<!tpu.dma_semaphore, #tpu.memory_space<semaphore_mem>>
      %dma_start3A = arith.constant 0 : i32
      %dma_start3A_42 = tpu.memref_slice %arg5[%add3A, %dma_start3A] : memref<32x16xi32, #tpu.memory_space<hbm>> -> memref<1x16xi32, #tpu.memory_space<hbm>>
      %dma_start3A_43 = tpu.memref_squeeze %dma_start3A_42 : memref<1x16xi32, #tpu.memory_space<hbm>> -> memref<16xi32, #tpu.memory_space<hbm>>
      %dma_start3A_44 = arith.constant 0 : i32
      %dma_start3A_45 = tpu.memref_slice %arg5[%add3A, %dma_start3A_44] : memref<32x16xi32, #tpu.memory_space<hbm>> -> memref<1x16xi32, #tpu.memory_space<hbm>>
      %dma_start3A_46 = tpu.memref_squeeze %dma_start3A_45 : memref<1x16xi32, #tpu.memory_space<hbm>> -> memref<16xi32, #tpu.memory_space<hbm>>
      tpu.enqueue_dma source(%dma_start3A_46 : memref<16xi32, #tpu.memory_space<hbm>>) target(%arg9 : memref<16xi32, #tpu.memory_space<vmem>>) target_semaphore(%run_scoped3A : memref<!tpu.dma_semaphore, #tpu.memory_space<semaphore_mem>>)
      %dma_wait3A = arith.constant 0 : i32
      %dma_wait3A_47 = tpu.memref_slice %arg5[%add3A, %dma_wait3A] : memref<32x16xi32, #tpu.memory_space<hbm>> -> memref<1x16xi32, #tpu.memory_space<hbm>>
      %dma_wait3A_48 = tpu.memref_squeeze %dma_wait3A_47 : memref<1x16xi32, #tpu.memory_space<hbm>> -> memref<16xi32, #tpu.memory_space<hbm>>
      %dma_wait3A_49 = arith.constant 0 : i32
      %dma_wait3A_50 = tpu.memref_slice %arg5[%add3A, %dma_wait3A_49] : memref<32x16xi32, #tpu.memory_space<hbm>> -> memref<1x16xi32, #tpu.memory_space<hbm>>
      %dma_wait3A_51 = tpu.memref_squeeze %dma_wait3A_50 : memref<1x16xi32, #tpu.memory_space<hbm>> -> memref<16xi32, #tpu.memory_space<hbm>>
      tpu.wait_dma2 semaphore(%run_scoped3A : memref<!tpu.dma_semaphore, #tpu.memory_space<semaphore_mem>>) src(%dma_wait3A_51 : memref<16xi32, #tpu.memory_space<hbm>>) dst(%arg9 : memref<16xi32, #tpu.memory_space<vmem>>)
      tpu.yield
    }) : () -> ()
    %get3A = arith.constant 0 : index
    %get3A_1 = tpu.vector_load %arg8[%get3A] {strides = array<i32>} : memref<16xi32, #tpu.memory_space<vmem>>, vector<16xi32>,
    %reduce_max3A = arith.constant true
    %reduce_max3A_2 = vector.broadcast %reduce_max3A : i1 to vector<16xi1>
    %reduce_max3A_3 = arith.constant -2147483648 : i32
    %reduce_max3A_4 = vector.broadcast %reduce_max3A_3 : i32 to vector<16xi32>
    %reduce_max3A_5 = arith.xori %get3A_1, %reduce_max3A_4 : vector<16xi32>
    %reduce_max3A_6 = tpu.scan <max>, %reduce_max3A_5 masked %reduce_max3A_2 : vector<16xi32>, vector<16xi1> -> vector<16xi32>
    %reduce_max3A_7 = arith.xori %reduce_max3A_6, %reduce_max3A_4 : vector<16xi32>
    %reduce_max3A_8 = vector.extract %reduce_max3A_7[15] : i32 from vector<16xi32>
    %get3A_9 = arith.constant 0 : index
    %get3A_10 = tpu.vector_load %arg9[%get3A_9] {strides = array<i32>} : memref<16xi32, #tpu.memory_space<vmem>>, vector<16xi32>,
    %reduce_max3A_11 = arith.constant true
    %reduce_max3A_12 = vector.broadcast %reduce_max3A_11 : i1 to vector<16xi1>
    %reduce_max3A_13 = arith.constant -2147483648 : i32
    %reduce_max3A_14 = vector.broadcast %reduce_max3A_13 : i32 to vector<16xi32>
    %reduce_max3A_15 = arith.xori %get3A_10, %reduce_max3A_14 : vector<16xi32>
    %reduce_max3A_16 = tpu.scan <max>, %reduce_max3A_15 masked %reduce_max3A_12 : vector<16xi32>, vector<16xi1> -> vector<16xi32>
    %reduce_max3A_17 = arith.xori %reduce_max3A_16, %reduce_max3A_14 : vector<16xi32>
    %reduce_max3A_18 = vector.extract %reduce_max3A_17[15] : i32 from vector<16xi32>
    %add3A_19 = arith.constant 64 : i32
    %add3A_20 = arith.addi %reduce_max3A_8, %add3A_19 : i32
    %sub3A = arith.constant 1 : i32
    %sub3A_21 = arith.subi %add3A_20, %sub3A : i32
    %shift_right_arithmetic3A = arith.constant 6 : i32
    %shift_right_arithmetic3A_22 = arith.shrsi %sub3A_21, %shift_right_arithmetic3A : i32
    %mul3A_23 = arith.constant 32768 : i32
    %mul3A_24 = arith.muli %arg0, %mul3A_23 : i32
    %add3A_25 = arith.addi %mul3A_24, %reduce_max3A_18 : i32
    %multiple_of3A = tpu.assume_multiple %add3A_25, 8 : i32
    %gt3A = arith.constant 0 : i32
    %gt3A_26 = arith.cmpi sgt, %shift_right_arithmetic3A_22, %gt3A : i32
    %convert_element_type3A = arith.extui %gt3A_26 : i1 to i32
    %cond3A = arith.constant 0 : i32
    %cond3A_27 = arith.cmpi ne, %convert_element_type3A, %cond3A : i32
    scf.if %cond3A_27 {
      %dma_start3A = arith.constant 0 : i32
      %dma_start3A_42 = arith.constant 0 : i32
      %dma_start3A_43 = arith.constant 0 : i32
      %dma_start3A_44 = arith.constant 0 : i32
      %dma_start3A_45 = arith.constant 0 : i32
      %dma_start3A_46 = tpu.memref_slice %arg10[%dma_start3A, %dma_start3A_44, %dma_start3A_45] : memref<2x64x512xf32, #tpu.memory_space<vmem>> -> memref<1x16x512xf32, #tpu.memory_space<vmem>>
      %dma_start3A_47 = tpu.memref_squeeze %dma_start3A_46 : memref<1x16x512xf32, #tpu.memory_space<vmem>> -> memref<16x512xf32, #tpu.memory_space<vmem>>
      %dma_start3A_48 = arith.constant 0 : i32
      %dma_start3A_49 = tpu.memref_slice %arg7[%dma_start3A_48] : memref<2048xi32, #tpu.memory_space<vmem>> -> memref<16xi32, #tpu.memory_space<vmem>>
      %dma_start3A_50 = arith.constant 0 : i32
      %dma_start3A_51 = arith.constant 0 : i32
      %dma_start3A_52 = tpu.memref_slice %arg2[%dma_start3A_50, %dma_start3A_51] : memref<65536x512xf32, #tpu.memory_space<hbm>> -> memref<65536x512xf32, #tpu.memory_space<hbm>>
      %dma_start3A_53 = tpu.memref_slice %arg11[%dma_start3A_42, %dma_start3A_43] : memref<2x4x!tpu.dma_semaphore, #tpu.memory_space<semaphore_mem>> -> memref<1x1x!tpu.dma_semaphore, #tpu.memory_space<semaphore_mem>>
      %dma_start3A_54 = tpu.memref_squeeze %dma_start3A_53 : memref<1x1x!tpu.dma_semaphore, #tpu.memory_space<semaphore_mem>> -> memref<!tpu.dma_semaphore, #tpu.memory_space<semaphore_mem>>
      tpu.enqueue_indirect_dma source(%dma_start3A_52 : memref<65536x512xf32, #tpu.memory_space<hbm>>) target(%dma_start3A_47 : memref<16x512xf32, #tpu.memory_space<vmem>>) offsets(%dma_start3A_49 : memref<16xi32, #tpu.memory_space<vmem>>) semaphore(%dma_start3A_54 : memref<!tpu.dma_semaphore, #tpu.memory_space<semaphore_mem>>)
      %dma_start3A_55 = arith.constant 0 : i32
      %dma_start3A_56 = arith.constant 0 : i32
      %dma_start3A_57 = arith.constant 1 : i32
      %dma_start3A_58 = arith.constant 16 : i32
      %dma_start3A_59 = arith.constant 0 : i32
      %dma_start3A_60 = tpu.memref_slice %arg10[%dma_start3A_55, %dma_start3A_58, %dma_start3A_59] : memref<2x64x512xf32, #tpu.memory_space<vmem>> -> memref<1x16x512xf32, #tpu.memory_space<vmem>>
      %dma_start3A_61 = tpu.memref_squeeze %dma_start3A_60 : memref<1x16x512xf32, #tpu.memory_space<vmem>> -> memref<16x512xf32, #tpu.memory_space<vmem>>
      %dma_start3A_62 = arith.constant 16 : i32
      %dma_start3A_63 = tpu.memref_slice %arg7[%dma_start3A_62] : memref<2048xi32, #tpu.memory_space<vmem>> -> memref<16xi32, #tpu.memory_space<vmem>>
      %dma_start3A_64 = arith.constant 0 : i32
      %dma_start3A_65 = arith.constant 0 : i32
      %dma_start3A_66 = tpu.memref_slice %arg2[%dma_start3A_64, %dma_start3A_65] : memref<65536x512xf32, #tpu.memory_space<hbm>> -> memref<65536x512xf32, #tpu.memory_space<hbm>>
      %dma_start3A_67 = tpu.memref_slice %arg11[%dma_start3A_56, %dma_start3A_57] : memref<2x4x!tpu.dma_semaphore, #tpu.memory_space<semaphore_mem>> -> memref<1x1x!tpu.dma_semaphore, #tpu.memory_space<semaphore_mem>>
      %dma_start3A_68 = tpu.memref_squeeze %dma_start3A_67 : memref<1x1x!tpu.dma_semaphore, #tpu.memory_space<semaphore_mem>> -> memref<!tpu.dma_semaphore, #tpu.memory_space<semaphore_mem>>
      tpu.enqueue_indirect_dma source(%dma_start3A_66 : memref<65536x512xf32, #tpu.memory_space<hbm>>) target(%dma_start3A_61 : memref<16x512xf32, #tpu.memory_space<vmem>>) offsets(%dma_start3A_63 : memref<16xi32, #tpu.memory_space<vmem>>) semaphore(%dma_start3A_68 : memref<!tpu.dma_semaphore, #tpu.memory_space<semaphore_mem>>)
      %dma_start3A_69 = arith.constant 0 : i32
      %dma_start3A_70 = arith.constant 0 : i32
      %dma_start3A_71 = arith.constant 2 : i32
      %dma_start3A_72 = arith.constant 32 : i32
      %dma_start3A_73 = arith.constant 0 : i32
      %dma_start3A_74 = tpu.memref_slice %arg10[%dma_start3A_69, %dma_start3A_72, %dma_start3A_73] : memref<2x64x512xf32, #tpu.memory_space<vmem>> -> memref<1x16x512xf32, #tpu.memory_space<vmem>>
      %dma_start3A_75 = tpu.memref_squeeze %dma_start3A_74 : memref<1x16x512xf32, #tpu.memory_space<vmem>> -> memref<16x512xf32, #tpu.memory_space<vmem>>
      %dma_start3A_76 = arith.constant 32 : i32
      %dma_start3A_77 = tpu.memref_slice %arg7[%dma_start3A_76] : memref<2048xi32, #tpu.memory_space<vmem>> -> memref<16xi32, #tpu.memory_space<vmem>>
      %dma_start3A_78 = arith.constant 0 : i32
      %dma_start3A_79 = arith.constant 0 : i32
      %dma_start3A_80 = tpu.memref_slice %arg2[%dma_start3A_78, %dma_start3A_79] : memref<65536x512xf32, #tpu.memory_space<hbm>> -> memref<65536x512xf32, #tpu.memory_space<hbm>>
      %dma_start3A_81 = tpu.memref_slice %arg11[%dma_start3A_70, %dma_start3A_71] : memref<2x4x!tpu.dma_semaphore, #tpu.memory_space<semaphore_mem>> -> memref<1x1x!tpu.dma_semaphore, #tpu.memory_space<semaphore_mem>>
      %dma_start3A_82 = tpu.memref_squeeze %dma_start3A_81 : memref<1x1x!tpu.dma_semaphore, #tpu.memory_space<semaphore_mem>> -> memref<!tpu.dma_semaphore, #tpu.memory_space<semaphore_mem>>
      tpu.enqueue_indirect_dma source(%dma_start3A_80 : memref<65536x512xf32, #tpu.memory_space<hbm>>) target(%dma_start3A_75 : memref<16x512xf32, #tpu.memory_space<vmem>>) offsets(%dma_start3A_77 : memref<16xi32, #tpu.memory_space<vmem>>) semaphore(%dma_start3A_82 : memref<!tpu.dma_semaphore, #tpu.memory_space<semaphore_mem>>)
      %dma_start3A_83 = arith.constant 0 : i32
      %dma_start3A_84 = arith.constant 0 : i32
      %dma_start3A_85 = arith.constant 3 : i32
      %dma_start3A_86 = arith.constant 48 : i32
      %dma_start3A_87 = arith.constant 0 : i32
      %dma_start3A_88 = tpu.memref_slice %arg10[%dma_start3A_83, %dma_start3A_86, %dma_start3A_87] : memref<2x64x512xf32, #tpu.memory_space<vmem>> -> memref<1x16x512xf32, #tpu.memory_space<vmem>>
      %dma_start3A_89 = tpu.memref_squeeze %dma_start3A_88 : memref<1x16x512xf32, #tpu.memory_space<vmem>> -> memref<16x512xf32, #tpu.memory_space<vmem>>
      %dma_start3A_90 = arith.constant 48 : i32
      %dma_start3A_91 = tpu.memref_slice %arg7[%dma_start3A_90] : memref<2048xi32, #tpu.memory_space<vmem>> -> memref<16xi32, #tpu.memory_space<vmem>>
      %dma_start3A_92 = arith.constant 0 : i32
      %dma_start3A_93 = arith.constant 0 : i32
      %dma_start3A_94 = tpu.memref_slice %arg2[%dma_start3A_92, %dma_start3A_93] : memref<65536x512xf32, #tpu.memory_space<hbm>> -> memref<65536x512xf32, #tpu.memory_space<hbm>>
      %dma_start3A_95 = tpu.memref_slice %arg11[%dma_start3A_84, %dma_start3A_85] : memref<2x4x!tpu.dma_semaphore, #tpu.memory_space<semaphore_mem>> -> memref<1x1x!tpu.dma_semaphore, #tpu.memory_space<semaphore_mem>>
      %dma_start3A_96 = tpu.memref_squeeze %dma_start3A_95 : memref<1x1x!tpu.dma_semaphore, #tpu.memory_space<semaphore_mem>> -> memref<!tpu.dma_semaphore, #tpu.memory_space<semaphore_mem>>
      tpu.enqueue_indirect_dma source(%dma_start3A_94 : memref<65536x512xf32, #tpu.memory_space<hbm>>) target(%dma_start3A_89 : memref<16x512xf32, #tpu.memory_space<vmem>>) offsets(%dma_start3A_91 : memref<16xi32, #tpu.memory_space<vmem>>) semaphore(%dma_start3A_96 : memref<!tpu.dma_semaphore, #tpu.memory_space<semaphore_mem>>)
    } else {
    }
    %while3A = arith.constant 0 : i32
    %while3A_28 = arith.constant 0 : i32
    %while3A_29 = arith.subi %shift_right_arithmetic3A_22, %while3A_28 : i32
    %while3A_30 = arith.addi %while3A_28, %while3A_29 : i32
    %while3A_31 = arith.constant 1 : i32
    %while3A_32 = arith.divsi %while3A_29, %while3A_31 : i32
    %while3A_33 = arith.muli %while3A_32, %while3A_31 : i32
    %while3A_34 = arith.addi %while3A_28, %while3A_33 : i32
    %while3A_35 = arith.constant 1 : i32
    scf.for %while3A_42 = %while3A_28 to %while3A_34 step %while3A_35  : i32 {
      %and3A = arith.constant 1 : i32
      %and3A_43 = arith.andi %while3A_42, %and3A : i32
      %mul3A_44 = arith.constant 64 : i32
      %mul3A_45 = arith.muli %while3A_42, %mul3A_44 : i32
      %add3A_46 = arith.constant 0 : i32
      %add3A_47 = arith.addi %mul3A_45, %add3A_46 : i32
      %dma_wait3A = arith.constant 0 : i32
      %dma_wait3A_48 = arith.constant 0 : i32
      %dma_wait3A_49 = arith.constant 0 : i32
      %dma_wait3A_50 = tpu.memref_slice %arg10[%and3A_43, %dma_wait3A_48, %dma_wait3A_49] : memref<2x64x512xf32, #tpu.memory_space<vmem>> -> memref<1x16x512xf32, #tpu.memory_space<vmem>>
      %dma_wait3A_51 = tpu.memref_squeeze %dma_wait3A_50 : memref<1x16x512xf32, #tpu.memory_space<vmem>> -> memref<16x512xf32, #tpu.memory_space<vmem>>
      %dma_wait3A_52 = tpu.memref_slice %arg7[%add3A_47] : memref<2048xi32, #tpu.memory_space<vmem>> -> memref<16xi32, #tpu.memory_space<vmem>>
      %dma_wait3A_53 = arith.constant 0 : i32
      %dma_wait3A_54 = arith.constant 0 : i32
      %dma_wait3A_55 = tpu.memref_slice %arg2[%dma_wait3A_53, %dma_wait3A_54] : memref<65536x512xf32, #tpu.memory_space<hbm>> -> memref<65536x512xf32, #tpu.memory_space<hbm>>
      %dma_wait3A_56 = tpu.memref_slice %arg11[%and3A_43, %dma_wait3A] : memref<2x4x!tpu.dma_semaphore, #tpu.memory_space<semaphore_mem>> -> memref<1x1x!tpu.dma_semaphore, #tpu.memory_space<semaphore_mem>>
      %dma_wait3A_57 = tpu.memref_squeeze %dma_wait3A_56 : memref<1x1x!tpu.dma_semaphore, #tpu.memory_space<semaphore_mem>> -> memref<!tpu.dma_semaphore, #tpu.memory_space<semaphore_mem>>
      tpu.wait_indirect_dma semaphore(%dma_wait3A_57 : memref<!tpu.dma_semaphore, #tpu.memory_space<semaphore_mem>>) src(%dma_wait3A_55 : memref<65536x512xf32, #tpu.memory_space<hbm>>) dst(%dma_wait3A_51 : memref<16x512xf32, #tpu.memory_space<vmem>>)
      %mul3A_58 = arith.constant 64 : i32
      %mul3A_59 = arith.muli %while3A_42, %mul3A_58 : i32
      %add3A_60 = arith.constant 16 : i32
      %add3A_61 = arith.addi %mul3A_59, %add3A_60 : i32
      %dma_wait3A_62 = arith.constant 1 : i32
      %dma_wait3A_63 = arith.constant 16 : i32
      %dma_wait3A_64 = arith.constant 0 : i32
      %dma_wait3A_65 = tpu.memref_slice %arg10[%and3A_43, %dma_wait3A_63, %dma_wait3A_64] : memref<2x64x512xf32, #tpu.memory_space<vmem>> -> memref<1x16x512xf32, #tpu.memory_space<vmem>>
      %dma_wait3A_66 = tpu.memref_squeeze %dma_wait3A_65 : memref<1x16x512xf32, #tpu.memory_space<vmem>> -> memref<16x512xf32, #tpu.memory_space<vmem>>
      %dma_wait3A_67 = tpu.memref_slice %arg7[%add3A_61] : memref<2048xi32, #tpu.memory_space<vmem>> -> memref<16xi32, #tpu.memory_space<vmem>>
      %dma_wait3A_68 = arith.constant 0 : i32
      %dma_wait3A_69 = arith.constant 0 : i32
      %dma_wait3A_70 = tpu.memref_slice %arg2[%dma_wait3A_68, %dma_wait3A_69] : memref<65536x512xf32, #tpu.memory_space<hbm>> -> memref<65536x512xf32, #tpu.memory_space<hbm>>
      %dma_wait3A_71 = tpu.memref_slice %arg11[%and3A_43, %dma_wait3A_62] : memref<2x4x!tpu.dma_semaphore, #tpu.memory_space<semaphore_mem>> -> memref<1x1x!tpu.dma_semaphore, #tpu.memory_space<semaphore_mem>>
      %dma_wait3A_72 = tpu.memref_squeeze %dma_wait3A_71 : memref<1x1x!tpu.dma_semaphore, #tpu.memory_space<semaphore_mem>> -> memref<!tpu.dma_semaphore, #tpu.memory_space<semaphore_mem>>
      tpu.wait_indirect_dma semaphore(%dma_wait3A_72 : memref<!tpu.dma_semaphore, #tpu.memory_space<semaphore_mem>>) src(%dma_wait3A_70 : memref<65536x512xf32, #tpu.memory_space<hbm>>) dst(%dma_wait3A_66 : memref<16x512xf32, #tpu.memory_space<vmem>>)
      %mul3A_73 = arith.constant 64 : i32
      %mul3A_74 = arith.muli %while3A_42, %mul3A_73 : i32
      %add3A_75 = arith.constant 32 : i32
      %add3A_76 = arith.addi %mul3A_74, %add3A_75 : i32
      %dma_wait3A_77 = arith.constant 2 : i32
      %dma_wait3A_78 = arith.constant 32 : i32
      %dma_wait3A_79 = arith.constant 0 : i32
      %dma_wait3A_80 = tpu.memref_slice %arg10[%and3A_43, %dma_wait3A_78, %dma_wait3A_79] : memref<2x64x512xf32, #tpu.memory_space<vmem>> -> memref<1x16x512xf32, #tpu.memory_space<vmem>>
      %dma_wait3A_81 = tpu.memref_squeeze %dma_wait3A_80 : memref<1x16x512xf32, #tpu.memory_space<vmem>> -> memref<16x512xf32, #tpu.memory_space<vmem>>
      %dma_wait3A_82 = tpu.memref_slice %arg7[%add3A_76] : memref<2048xi32, #tpu.memory_space<vmem>> -> memref<16xi32, #tpu.memory_space<vmem>>
      %dma_wait3A_83 = arith.constant 0 : i32
      %dma_wait3A_84 = arith.constant 0 : i32
      %dma_wait3A_85 = tpu.memref_slice %arg2[%dma_wait3A_83, %dma_wait3A_84] : memref<65536x512xf32, #tpu.memory_space<hbm>> -> memref<65536x512xf32, #tpu.memory_space<hbm>>
      %dma_wait3A_86 = tpu.memref_slice %arg11[%and3A_43, %dma_wait3A_77] : memref<2x4x!tpu.dma_semaphore, #tpu.memory_space<semaphore_mem>> -> memref<1x1x!tpu.dma_semaphore, #tpu.memory_space<semaphore_mem>>
      %dma_wait3A_87 = tpu.memref_squeeze %dma_wait3A_86 : memref<1x1x!tpu.dma_semaphore, #tpu.memory_space<semaphore_mem>> -> memref<!tpu.dma_semaphore, #tpu.memory_space<semaphore_mem>>
      tpu.wait_indirect_dma semaphore(%dma_wait3A_87 : memref<!tpu.dma_semaphore, #tpu.memory_space<semaphore_mem>>) src(%dma_wait3A_85 : memref<65536x512xf32, #tpu.memory_space<hbm>>) dst(%dma_wait3A_81 : memref<16x512xf32, #tpu.memory_space<vmem>>)
      %mul3A_88 = arith.constant 64 : i32
      %mul3A_89 = arith.muli %while3A_42, %mul3A_88 : i32
      %add3A_90 = arith.constant 48 : i32
      %add3A_91 = arith.addi %mul3A_89, %add3A_90 : i32
      %dma_wait3A_92 = arith.constant 3 : i32
      %dma_wait3A_93 = arith.constant 48 : i32
      %dma_wait3A_94 = arith.constant 0 : i32
      %dma_wait3A_95 = tpu.memref_slice %arg10[%and3A_43, %dma_wait3A_93, %dma_wait3A_94] : memref<2x64x512xf32, #tpu.memory_space<vmem>> -> memref<1x16x512xf32, #tpu.memory_space<vmem>>
      %dma_wait3A_96 = tpu.memref_squeeze %dma_wait3A_95 : memref<1x16x512xf32, #tpu.memory_space<vmem>> -> memref<16x512xf32, #tpu.memory_space<vmem>>
      %dma_wait3A_97 = tpu.memref_slice %arg7[%add3A_91] : memref<2048xi32, #tpu.memory_space<vmem>> -> memref<16xi32, #tpu.memory_space<vmem>>
      %dma_wait3A_98 = arith.constant 0 : i32
      %dma_wait3A_99 = arith.constant 0 : i32
      %dma_wait3A_100 = tpu.memref_slice %arg2[%dma_wait3A_98, %dma_wait3A_99] : memref<65536x512xf32, #tpu.memory_space<hbm>> -> memref<65536x512xf32, #tpu.memory_space<hbm>>
      %dma_wait3A_101 = tpu.memref_slice %arg11[%and3A_43, %dma_wait3A_92] : memref<2x4x!tpu.dma_semaphore, #tpu.memory_space<semaphore_mem>> -> memref<1x1x!tpu.dma_semaphore, #tpu.memory_space<semaphore_mem>>
      %dma_wait3A_102 = tpu.memref_squeeze %dma_wait3A_101 : memref<1x1x!tpu.dma_semaphore, #tpu.memory_space<semaphore_mem>> -> memref<!tpu.dma_semaphore, #tpu.memory_space<semaphore_mem>>
      tpu.wait_indirect_dma semaphore(%dma_wait3A_102 : memref<!tpu.dma_semaphore, #tpu.memory_space<semaphore_mem>>) src(%dma_wait3A_100 : memref<65536x512xf32, #tpu.memory_space<hbm>>) dst(%dma_wait3A_96 : memref<16x512xf32, #tpu.memory_space<vmem>>)
      %ge3A = arith.constant 1 : i32
      %ge3A_103 = arith.cmpi sge, %while3A_42, %ge3A : i32
      %convert_element_type3A_104 = arith.extui %ge3A_103 : i1 to i32
      %cond3A_105 = arith.constant 0 : i32
      %cond3A_106 = arith.cmpi ne, %convert_element_type3A_104, %cond3A_105 : i32
      scf.if %cond3A_106 {
        %sub3A_128 = arith.constant 1 : i32
        %sub3A_129 = arith.subi %while3A_42, %sub3A_128 : i32
        %sub3A_130 = arith.constant 1 : i32
        %sub3A_131 = arith.subi %sub3A_130, %and3A_43 : i32
        %mul3A_132 = arith.constant 64 : i32
        %mul3A_133 = arith.muli %sub3A_129, %mul3A_132 : i32
        %add3A_134 = arith.addi %multiple_of3A, %mul3A_133 : i32
        %dma_wait3A_135 = arith.constant 0 : i32
        %dma_wait3A_136 = arith.constant 0 : i32
        %dma_wait3A_137 = tpu.memref_slice %arg10[%sub3A_131, %dma_wait3A_135, %dma_wait3A_136] : memref<2x64x512xf32, #tpu.memory_space<vmem>> -> memref<1x64x512xf32, #tpu.memory_space<vmem>>
        %dma_wait3A_138 = tpu.memref_squeeze %dma_wait3A_137 : memref<1x64x512xf32, #tpu.memory_space<vmem>> -> memref<64x512xf32, #tpu.memory_space<vmem>>
        %dma_wait3A_139 = arith.constant 0 : i32
        %dma_wait3A_140 = tpu.memref_slice %arg6[%add3A_134, %dma_wait3A_139] : memref<65536x512xf32, #tpu.memory_space<hbm>> -> memref<64x512xf32, #tpu.memory_space<hbm>>
        %dma_wait3A_141 = tpu.memref_slice %arg12[%sub3A_131] : memref<2x!tpu.dma_semaphore, #tpu.memory_space<semaphore_mem>> -> memref<1x!tpu.dma_semaphore, #tpu.memory_space<semaphore_mem>>
        %dma_wait3A_142 = tpu.memref_squeeze %dma_wait3A_141 : memref<1x!tpu.dma_semaphore, #tpu.memory_space<semaphore_mem>> -> memref<!tpu.dma_semaphore, #tpu.memory_space<semaphore_mem>>
        %dma_wait3A_143 = arith.constant 0 : i32
        %dma_wait3A_144 = tpu.memref_slice %arg6[%add3A_134, %dma_wait3A_143] : memref<65536x512xf32, #tpu.memory_space<hbm>> -> memref<64x512xf32, #tpu.memory_space<hbm>>
        %dma_wait3A_145 = arith.constant 0 : i32
        %dma_wait3A_146 = arith.constant 0 : i32
        %dma_wait3A_147 = tpu.memref_slice %arg10[%sub3A_131, %dma_wait3A_145, %dma_wait3A_146] : memref<2x64x512xf32, #tpu.memory_space<vmem>> -> memref<1x64x512xf32, #tpu.memory_space<vmem>>
        %dma_wait3A_148 = tpu.memref_squeeze %dma_wait3A_147 : memref<1x64x512xf32, #tpu.memory_space<vmem>> -> memref<64x512xf32, #tpu.memory_space<vmem>>
        tpu.wait_dma2 semaphore(%dma_wait3A_142 : memref<!tpu.dma_semaphore, #tpu.memory_space<semaphore_mem>>) src(%dma_wait3A_148 : memref<64x512xf32, #tpu.memory_space<vmem>>) dst(%dma_wait3A_144 : memref<64x512xf32, #tpu.memory_space<hbm>>)
      } else {
      }
      %mul3A_107 = arith.constant 64 : i32
      %mul3A_108 = arith.muli %while3A_42, %mul3A_107 : i32
      %add3A_109 = arith.addi %multiple_of3A, %mul3A_108 : i32
      %dma_start3A = arith.constant 0 : i32
      %dma_start3A_110 = arith.constant 0 : i32
      %dma_start3A_111 = tpu.memref_slice %arg10[%and3A_43, %dma_start3A, %dma_start3A_110] : memref<2x64x512xf32, #tpu.memory_space<vmem>> -> memref<1x64x512xf32, #tpu.memory_space<vmem>>
      %dma_start3A_112 = tpu.memref_squeeze %dma_start3A_111 : memref<1x64x512xf32, #tpu.memory_space<vmem>> -> memref<64x512xf32, #tpu.memory_space<vmem>>
      %dma_start3A_113 = arith.constant 0 : i32
      %dma_start3A_114 = tpu.memref_slice %arg6[%add3A_109, %dma_start3A_113] : memref<65536x512xf32, #tpu.memory_space<hbm>> -> memref<64x512xf32, #tpu.memory_space<hbm>>
      %dma_start3A_115 = tpu.memref_slice %arg12[%and3A_43] : memref<2x!tpu.dma_semaphore, #tpu.memory_space<semaphore_mem>> -> memref<1x!tpu.dma_semaphore, #tpu.memory_space<semaphore_mem>>
      %dma_start3A_116 = tpu.memref_squeeze %dma_start3A_115 : memref<1x!tpu.dma_semaphore, #tpu.memory_space<semaphore_mem>> -> memref<!tpu.dma_semaphore, #tpu.memory_space<semaphore_mem>>
      %dma_start3A_117 = arith.constant 0 : i32
      %dma_start3A_118 = tpu.memref_slice %arg6[%add3A_109, %dma_start3A_117] : memref<65536x512xf32, #tpu.memory_space<hbm>> -> memref<64x512xf32, #tpu.memory_space<hbm>>
      %dma_start3A_119 = arith.constant 0 : i32
      %dma_start3A_120 = arith.constant 0 : i32
      %dma_start3A_121 = tpu.memref_slice %arg10[%and3A_43, %dma_start3A_119, %dma_start3A_120] : memref<2x64x512xf32, #tpu.memory_space<vmem>> -> memref<1x64x512xf32, #tpu.memory_space<vmem>>
      %dma_start3A_122 = tpu.memref_squeeze %dma_start3A_121 : memref<1x64x512xf32, #tpu.memory_space<vmem>> -> memref<64x512xf32, #tpu.memory_space<vmem>>
      tpu.enqueue_dma source(%dma_start3A_122 : memref<64x512xf32, #tpu.memory_space<vmem>>) target(%dma_start3A_118 : memref<64x512xf32, #tpu.memory_space<hbm>>) target_semaphore(%dma_start3A_116 : memref<!tpu.dma_semaphore, #tpu.memory_space<semaphore_mem>>)
      %add3A_123 = arith.constant 1 : i32
      %add3A_124 = arith.addi %while3A_42, %add3A_123 : i32
      %lt3A = arith.cmpi slt, %add3A_124, %shift_right_arithmetic3A_22 : i32
      %convert_element_type3A_125 = arith.extui %lt3A : i1 to i32
      %cond3A_126 = arith.constant 0 : i32
      %cond3A_127 = arith.cmpi ne, %convert_element_type3A_125, %cond3A_126 : i32
      scf.if %cond3A_127 {
        %add3A_128 = arith.constant 1 : i32
        %add3A_129 = arith.addi %while3A_42, %add3A_128 : i32
        %sub3A_130 = arith.constant 1 : i32
        %sub3A_131 = arith.subi %sub3A_130, %and3A_43 : i32
        %mul3A_132 = arith.constant 64 : i32
        %mul3A_133 = arith.muli %add3A_129, %mul3A_132 : i32
        %add3A_134 = arith.constant 0 : i32
        %add3A_135 = arith.addi %mul3A_133, %add3A_134 : i32
        %dma_start3A_136 = arith.constant 0 : i32
        %dma_start3A_137 = arith.constant 0 : i32
        %dma_start3A_138 = arith.constant 0 : i32
        %dma_start3A_139 = tpu.memref_slice %arg10[%sub3A_131, %dma_start3A_137, %dma_start3A_138] : memref<2x64x512xf32, #tpu.memory_space<vmem>> -> memref<1x16x512xf32, #tpu.memory_space<vmem>>
        %dma_start3A_140 = tpu.memref_squeeze %dma_start3A_139 : memref<1x16x512xf32, #tpu.memory_space<vmem>> -> memref<16x512xf32, #tpu.memory_space<vmem>>
        %dma_start3A_141 = tpu.memref_slice %arg7[%add3A_135] : memref<2048xi32, #tpu.memory_space<vmem>> -> memref<16xi32, #tpu.memory_space<vmem>>
        %dma_start3A_142 = arith.constant 0 : i32
        %dma_start3A_143 = arith.constant 0 : i32
        %dma_start3A_144 = tpu.memref_slice %arg2[%dma_start3A_142, %dma_start3A_143] : memref<65536x512xf32, #tpu.memory_space<hbm>> -> memref<65536x512xf32, #tpu.memory_space<hbm>>
        %dma_start3A_145 = tpu.memref_slice %arg11[%sub3A_131, %dma_start3A_136] : memref<2x4x!tpu.dma_semaphore, #tpu.memory_space<semaphore_mem>> -> memref<1x1x!tpu.dma_semaphore, #tpu.memory_space<semaphore_mem>>
        %dma_start3A_146 = tpu.memref_squeeze %dma_start3A_145 : memref<1x1x!tpu.dma_semaphore, #tpu.memory_space<semaphore_mem>> -> memref<!tpu.dma_semaphore, #tpu.memory_space<semaphore_mem>>
        tpu.enqueue_indirect_dma source(%dma_start3A_144 : memref<65536x512xf32, #tpu.memory_space<hbm>>) target(%dma_start3A_140 : memref<16x512xf32, #tpu.memory_space<vmem>>) offsets(%dma_start3A_141 : memref<16xi32, #tpu.memory_space<vmem>>) semaphore(%dma_start3A_146 : memref<!tpu.dma_semaphore, #tpu.memory_space<semaphore_mem>>)
        %mul3A_147 = arith.constant 64 : i32
        %mul3A_148 = arith.muli %add3A_129, %mul3A_147 : i32
        %add3A_149 = arith.constant 16 : i32
        %add3A_150 = arith.addi %mul3A_148, %add3A_149 : i32
        %dma_start3A_151 = arith.constant 1 : i32
        %dma_start3A_152 = arith.constant 16 : i32
        %dma_start3A_153 = arith.constant 0 : i32
        %dma_start3A_154 = tpu.memref_slice %arg10[%sub3A_131, %dma_start3A_152, %dma_start3A_153] : memref<2x64x512xf32, #tpu.memory_space<vmem>> -> memref<1x16x512xf32, #tpu.memory_space<vmem>>
        %dma_start3A_155 = tpu.memref_squeeze %dma_start3A_154 : memref<1x16x512xf32, #tpu.memory_space<vmem>> -> memref<16x512xf32, #tpu.memory_space<vmem>>
        %dma_start3A_156 = tpu.memref_slice %arg7[%add3A_150] : memref<2048xi32, #tpu.memory_space<vmem>> -> memref<16xi32, #tpu.memory_space<vmem>>
        %dma_start3A_157 = arith.constant 0 : i32
        %dma_start3A_158 = arith.constant 0 : i32
        %dma_start3A_159 = tpu.memref_slice %arg2[%dma_start3A_157, %dma_start3A_158] : memref<65536x512xf32, #tpu.memory_space<hbm>> -> memref<65536x512xf32, #tpu.memory_space<hbm>>
        %dma_start3A_160 = tpu.memref_slice %arg11[%sub3A_131, %dma_start3A_151] : memref<2x4x!tpu.dma_semaphore, #tpu.memory_space<semaphore_mem>> -> memref<1x1x!tpu.dma_semaphore, #tpu.memory_space<semaphore_mem>>
        %dma_start3A_161 = tpu.memref_squeeze %dma_start3A_160 : memref<1x1x!tpu.dma_semaphore, #tpu.memory_space<semaphore_mem>> -> memref<!tpu.dma_semaphore, #tpu.memory_space<semaphore_mem>>
        tpu.enqueue_indirect_dma source(%dma_start3A_159 : memref<65536x512xf32, #tpu.memory_space<hbm>>) target(%dma_start3A_155 : memref<16x512xf32, #tpu.memory_space<vmem>>) offsets(%dma_start3A_156 : memref<16xi32, #tpu.memory_space<vmem>>) semaphore(%dma_start3A_161 : memref<!tpu.dma_semaphore, #tpu.memory_space<semaphore_mem>>)
        %mul3A_162 = arith.constant 64 : i32
        %mul3A_163 = arith.muli %add3A_129, %mul3A_162 : i32
        %add3A_164 = arith.constant 32 : i32
        %add3A_165 = arith.addi %mul3A_163, %add3A_164 : i32
        %dma_start3A_166 = arith.constant 2 : i32
        %dma_start3A_167 = arith.constant 32 : i32
        %dma_start3A_168 = arith.constant 0 : i32
        %dma_start3A_169 = tpu.memref_slice %arg10[%sub3A_131, %dma_start3A_167, %dma_start3A_168] : memref<2x64x512xf32, #tpu.memory_space<vmem>> -> memref<1x16x512xf32, #tpu.memory_space<vmem>>
        %dma_start3A_170 = tpu.memref_squeeze %dma_start3A_169 : memref<1x16x512xf32, #tpu.memory_space<vmem>> -> memref<16x512xf32, #tpu.memory_space<vmem>>
        %dma_start3A_171 = tpu.memref_slice %arg7[%add3A_165] : memref<2048xi32, #tpu.memory_space<vmem>> -> memref<16xi32, #tpu.memory_space<vmem>>
        %dma_start3A_172 = arith.constant 0 : i32
        %dma_start3A_173 = arith.constant 0 : i32
        %dma_start3A_174 = tpu.memref_slice %arg2[%dma_start3A_172, %dma_start3A_173] : memref<65536x512xf32, #tpu.memory_space<hbm>> -> memref<65536x512xf32, #tpu.memory_space<hbm>>
        %dma_start3A_175 = tpu.memref_slice %arg11[%sub3A_131, %dma_start3A_166] : memref<2x4x!tpu.dma_semaphore, #tpu.memory_space<semaphore_mem>> -> memref<1x1x!tpu.dma_semaphore, #tpu.memory_space<semaphore_mem>>
        %dma_start3A_176 = tpu.memref_squeeze %dma_start3A_175 : memref<1x1x!tpu.dma_semaphore, #tpu.memory_space<semaphore_mem>> -> memref<!tpu.dma_semaphore, #tpu.memory_space<semaphore_mem>>
        tpu.enqueue_indirect_dma source(%dma_start3A_174 : memref<65536x512xf32, #tpu.memory_space<hbm>>) target(%dma_start3A_170 : memref<16x512xf32, #tpu.memory_space<vmem>>) offsets(%dma_start3A_171 : memref<16xi32, #tpu.memory_space<vmem>>) semaphore(%dma_start3A_176 : memref<!tpu.dma_semaphore, #tpu.memory_space<semaphore_mem>>)
        %mul3A_177 = arith.constant 64 : i32
        %mul3A_178 = arith.muli %add3A_129, %mul3A_177 : i32
        %add3A_179 = arith.constant 48 : i32
        %add3A_180 = arith.addi %mul3A_178, %add3A_179 : i32
        %dma_start3A_181 = arith.constant 3 : i32
        %dma_start3A_182 = arith.constant 48 : i32
        %dma_start3A_183 = arith.constant 0 : i32
        %dma_start3A_184 = tpu.memref_slice %arg10[%sub3A_131, %dma_start3A_182, %dma_start3A_183] : memref<2x64x512xf32, #tpu.memory_space<vmem>> -> memref<1x16x512xf32, #tpu.memory_space<vmem>>
        %dma_start3A_185 = tpu.memref_squeeze %dma_start3A_184 : memref<1x16x512xf32, #tpu.memory_space<vmem>> -> memref<16x512xf32, #tpu.memory_space<vmem>>
        %dma_start3A_186 = tpu.memref_slice %arg7[%add3A_180] : memref<2048xi32, #tpu.memory_space<vmem>> -> memref<16xi32, #tpu.memory_space<vmem>>
        %dma_start3A_187 = arith.constant 0 : i32
        %dma_start3A_188 = arith.constant 0 : i32
        %dma_start3A_189 = tpu.memref_slice %arg2[%dma_start3A_187, %dma_start3A_188] : memref<65536x512xf32, #tpu.memory_space<hbm>> -> memref<65536x512xf32, #tpu.memory_space<hbm>>
        %dma_start3A_190 = tpu.memref_slice %arg11[%sub3A_131, %dma_start3A_181] : memref<2x4x!tpu.dma_semaphore, #tpu.memory_space<semaphore_mem>> -> memref<1x1x!tpu.dma_semaphore, #tpu.memory_space<semaphore_mem>>
        %dma_start3A_191 = tpu.memref_squeeze %dma_start3A_190 : memref<1x1x!tpu.dma_semaphore, #tpu.memory_space<semaphore_mem>> -> memref<!tpu.dma_semaphore, #tpu.memory_space<semaphore_mem>>
        tpu.enqueue_indirect_dma source(%dma_start3A_189 : memref<65536x512xf32, #tpu.memory_space<hbm>>) target(%dma_start3A_185 : memref<16x512xf32, #tpu.memory_space<vmem>>) offsets(%dma_start3A_186 : memref<16xi32, #tpu.memory_space<vmem>>) semaphore(%dma_start3A_191 : memref<!tpu.dma_semaphore, #tpu.memory_space<semaphore_mem>>)
      } else {
      }
    }
    %while3A_36 = arith.constant 1 : i32
    scf.for %while3A_42 = %while3A_34 to %while3A_30 step %while3A_36  : i32 {
      %and3A = arith.constant 1 : i32
      %and3A_43 = arith.andi %while3A_42, %and3A : i32
      %mul3A_44 = arith.constant 64 : i32
      %mul3A_45 = arith.muli %while3A_42, %mul3A_44 : i32
      %add3A_46 = arith.constant 0 : i32
      %add3A_47 = arith.addi %mul3A_45, %add3A_46 : i32
      %dma_wait3A = arith.constant 0 : i32
      %dma_wait3A_48 = arith.constant 0 : i32
      %dma_wait3A_49 = arith.constant 0 : i32
      %dma_wait3A_50 = tpu.memref_slice %arg10[%and3A_43, %dma_wait3A_48, %dma_wait3A_49] : memref<2x64x512xf32, #tpu.memory_space<vmem>> -> memref<1x16x512xf32, #tpu.memory_space<vmem>>
      %dma_wait3A_51 = tpu.memref_squeeze %dma_wait3A_50 : memref<1x16x512xf32, #tpu.memory_space<vmem>> -> memref<16x512xf32, #tpu.memory_space<vmem>>
      %dma_wait3A_52 = tpu.memref_slice %arg7[%add3A_47] : memref<2048xi32, #tpu.memory_space<vmem>> -> memref<16xi32, #tpu.memory_space<vmem>>
      %dma_wait3A_53 = arith.constant 0 : i32
      %dma_wait3A_54 = arith.constant 0 : i32
      %dma_wait3A_55 = tpu.memref_slice %arg2[%dma_wait3A_53, %dma_wait3A_54] : memref<65536x512xf32, #tpu.memory_space<hbm>> -> memref<65536x512xf32, #tpu.memory_space<hbm>>
      %dma_wait3A_56 = tpu.memref_slice %arg11[%and3A_43, %dma_wait3A] : memref<2x4x!tpu.dma_semaphore, #tpu.memory_space<semaphore_mem>> -> memref<1x1x!tpu.dma_semaphore, #tpu.memory_space<semaphore_mem>>
      %dma_wait3A_57 = tpu.memref_squeeze %dma_wait3A_56 : memref<1x1x!tpu.dma_semaphore, #tpu.memory_space<semaphore_mem>> -> memref<!tpu.dma_semaphore, #tpu.memory_space<semaphore_mem>>
      tpu.wait_indirect_dma semaphore(%dma_wait3A_57 : memref<!tpu.dma_semaphore, #tpu.memory_space<semaphore_mem>>) src(%dma_wait3A_55 : memref<65536x512xf32, #tpu.memory_space<hbm>>) dst(%dma_wait3A_51 : memref<16x512xf32, #tpu.memory_space<vmem>>)
      %mul3A_58 = arith.constant 64 : i32
      %mul3A_59 = arith.muli %while3A_42, %mul3A_58 : i32
      %add3A_60 = arith.constant 16 : i32
      %add3A_61 = arith.addi %mul3A_59, %add3A_60 : i32
      %dma_wait3A_62 = arith.constant 1 : i32
      %dma_wait3A_63 = arith.constant 16 : i32
      %dma_wait3A_64 = arith.constant 0 : i32
      %dma_wait3A_65 = tpu.memref_slice %arg10[%and3A_43, %dma_wait3A_63, %dma_wait3A_64] : memref<2x64x512xf32, #tpu.memory_space<vmem>> -> memref<1x16x512xf32, #tpu.memory_space<vmem>>
      %dma_wait3A_66 = tpu.memref_squeeze %dma_wait3A_65 : memref<1x16x512xf32, #tpu.memory_space<vmem>> -> memref<16x512xf32, #tpu.memory_space<vmem>>
      %dma_wait3A_67 = tpu.memref_slice %arg7[%add3A_61] : memref<2048xi32, #tpu.memory_space<vmem>> -> memref<16xi32, #tpu.memory_space<vmem>>
      %dma_wait3A_68 = arith.constant 0 : i32
      %dma_wait3A_69 = arith.constant 0 : i32
      %dma_wait3A_70 = tpu.memref_slice %arg2[%dma_wait3A_68, %dma_wait3A_69] : memref<65536x512xf32, #tpu.memory_space<hbm>> -> memref<65536x512xf32, #tpu.memory_space<hbm>>
      %dma_wait3A_71 = tpu.memref_slice %arg11[%and3A_43, %dma_wait3A_62] : memref<2x4x!tpu.dma_semaphore, #tpu.memory_space<semaphore_mem>> -> memref<1x1x!tpu.dma_semaphore, #tpu.memory_space<semaphore_mem>>
      %dma_wait3A_72 = tpu.memref_squeeze %dma_wait3A_71 : memref<1x1x!tpu.dma_semaphore, #tpu.memory_space<semaphore_mem>> -> memref<!tpu.dma_semaphore, #tpu.memory_space<semaphore_mem>>
      tpu.wait_indirect_dma semaphore(%dma_wait3A_72 : memref<!tpu.dma_semaphore, #tpu.memory_space<semaphore_mem>>) src(%dma_wait3A_70 : memref<65536x512xf32, #tpu.memory_space<hbm>>) dst(%dma_wait3A_66 : memref<16x512xf32, #tpu.memory_space<vmem>>)
      %mul3A_73 = arith.constant 64 : i32
      %mul3A_74 = arith.muli %while3A_42, %mul3A_73 : i32
      %add3A_75 = arith.constant 32 : i32
      %add3A_76 = arith.addi %mul3A_74, %add3A_75 : i32
      %dma_wait3A_77 = arith.constant 2 : i32
      %dma_wait3A_78 = arith.constant 32 : i32
      %dma_wait3A_79 = arith.constant 0 : i32
      %dma_wait3A_80 = tpu.memref_slice %arg10[%and3A_43, %dma_wait3A_78, %dma_wait3A_79] : memref<2x64x512xf32, #tpu.memory_space<vmem>> -> memref<1x16x512xf32, #tpu.memory_space<vmem>>
      %dma_wait3A_81 = tpu.memref_squeeze %dma_wait3A_80 : memref<1x16x512xf32, #tpu.memory_space<vmem>> -> memref<16x512xf32, #tpu.memory_space<vmem>>
      %dma_wait3A_82 = tpu.memref_slice %arg7[%add3A_76] : memref<2048xi32, #tpu.memory_space<vmem>> -> memref<16xi32, #tpu.memory_space<vmem>>
      %dma_wait3A_83 = arith.constant 0 : i32
      %dma_wait3A_84 = arith.constant 0 : i32
      %dma_wait3A_85 = tpu.memref_slice %arg2[%dma_wait3A_83, %dma_wait3A_84] : memref<65536x512xf32, #tpu.memory_space<hbm>> -> memref<65536x512xf32, #tpu.memory_space<hbm>>
      %dma_wait3A_86 = tpu.memref_slice %arg11[%and3A_43, %dma_wait3A_77] : memref<2x4x!tpu.dma_semaphore, #tpu.memory_space<semaphore_mem>> -> memref<1x1x!tpu.dma_semaphore, #tpu.memory_space<semaphore_mem>>
      %dma_wait3A_87 = tpu.memref_squeeze %dma_wait3A_86 : memref<1x1x!tpu.dma_semaphore, #tpu.memory_space<semaphore_mem>> -> memref<!tpu.dma_semaphore, #tpu.memory_space<semaphore_mem>>
      tpu.wait_indirect_dma semaphore(%dma_wait3A_87 : memref<!tpu.dma_semaphore, #tpu.memory_space<semaphore_mem>>) src(%dma_wait3A_85 : memref<65536x512xf32, #tpu.memory_space<hbm>>) dst(%dma_wait3A_81 : memref<16x512xf32, #tpu.memory_space<vmem>>)
      %mul3A_88 = arith.constant 64 : i32
      %mul3A_89 = arith.muli %while3A_42, %mul3A_88 : i32
      %add3A_90 = arith.constant 48 : i32
      %add3A_91 = arith.addi %mul3A_89, %add3A_90 : i32
      %dma_wait3A_92 = arith.constant 3 : i32
      %dma_wait3A_93 = arith.constant 48 : i32
      %dma_wait3A_94 = arith.constant 0 : i32
      %dma_wait3A_95 = tpu.memref_slice %arg10[%and3A_43, %dma_wait3A_93, %dma_wait3A_94] : memref<2x64x512xf32, #tpu.memory_space<vmem>> -> memref<1x16x512xf32, #tpu.memory_space<vmem>>
      %dma_wait3A_96 = tpu.memref_squeeze %dma_wait3A_95 : memref<1x16x512xf32, #tpu.memory_space<vmem>> -> memref<16x512xf32, #tpu.memory_space<vmem>>
      %dma_wait3A_97 = tpu.memref_slice %arg7[%add3A_91] : memref<2048xi32, #tpu.memory_space<vmem>> -> memref<16xi32, #tpu.memory_space<vmem>>
      %dma_wait3A_98 = arith.constant 0 : i32
      %dma_wait3A_99 = arith.constant 0 : i32
      %dma_wait3A_100 = tpu.memref_slice %arg2[%dma_wait3A_98, %dma_wait3A_99] : memref<65536x512xf32, #tpu.memory_space<hbm>> -> memref<65536x512xf32, #tpu.memory_space<hbm>>
      %dma_wait3A_101 = tpu.memref_slice %arg11[%and3A_43, %dma_wait3A_92] : memref<2x4x!tpu.dma_semaphore, #tpu.memory_space<semaphore_mem>> -> memref<1x1x!tpu.dma_semaphore, #tpu.memory_space<semaphore_mem>>
      %dma_wait3A_102 = tpu.memref_squeeze %dma_wait3A_101 : memref<1x1x!tpu.dma_semaphore, #tpu.memory_space<semaphore_mem>> -> memref<!tpu.dma_semaphore, #tpu.memory_space<semaphore_mem>>
      tpu.wait_indirect_dma semaphore(%dma_wait3A_102 : memref<!tpu.dma_semaphore, #tpu.memory_space<semaphore_mem>>) src(%dma_wait3A_100 : memref<65536x512xf32, #tpu.memory_space<hbm>>) dst(%dma_wait3A_96 : memref<16x512xf32, #tpu.memory_space<vmem>>)
      %ge3A = arith.constant 1 : i32
      %ge3A_103 = arith.cmpi sge, %while3A_42, %ge3A : i32
      %convert_element_type3A_104 = arith.extui %ge3A_103 : i1 to i32
      %cond3A_105 = arith.constant 0 : i32
      %cond3A_106 = arith.cmpi ne, %convert_element_type3A_104, %cond3A_105 : i32
      scf.if %cond3A_106 {
        %sub3A_128 = arith.constant 1 : i32
        %sub3A_129 = arith.subi %while3A_42, %sub3A_128 : i32
        %sub3A_130 = arith.constant 1 : i32
        %sub3A_131 = arith.subi %sub3A_130, %and3A_43 : i32
        %mul3A_132 = arith.constant 64 : i32
        %mul3A_133 = arith.muli %sub3A_129, %mul3A_132 : i32
        %add3A_134 = arith.addi %multiple_of3A, %mul3A_133 : i32
        %dma_wait3A_135 = arith.constant 0 : i32
        %dma_wait3A_136 = arith.constant 0 : i32
        %dma_wait3A_137 = tpu.memref_slice %arg10[%sub3A_131, %dma_wait3A_135, %dma_wait3A_136] : memref<2x64x512xf32, #tpu.memory_space<vmem>> -> memref<1x64x512xf32, #tpu.memory_space<vmem>>
        %dma_wait3A_138 = tpu.memref_squeeze %dma_wait3A_137 : memref<1x64x512xf32, #tpu.memory_space<vmem>> -> memref<64x512xf32, #tpu.memory_space<vmem>>
        %dma_wait3A_139 = arith.constant 0 : i32
        %dma_wait3A_140 = tpu.memref_slice %arg6[%add3A_134, %dma_wait3A_139] : memref<65536x512xf32, #tpu.memory_space<hbm>> -> memref<64x512xf32, #tpu.memory_space<hbm>>
        %dma_wait3A_141 = tpu.memref_slice %arg12[%sub3A_131] : memref<2x!tpu.dma_semaphore, #tpu.memory_space<semaphore_mem>> -> memref<1x!tpu.dma_semaphore, #tpu.memory_space<semaphore_mem>>
        %dma_wait3A_142 = tpu.memref_squeeze %dma_wait3A_141 : memref<1x!tpu.dma_semaphore, #tpu.memory_space<semaphore_mem>> -> memref<!tpu.dma_semaphore, #tpu.memory_space<semaphore_mem>>
        %dma_wait3A_143 = arith.constant 0 : i32
        %dma_wait3A_144 = tpu.memref_slice %arg6[%add3A_134, %dma_wait3A_143] : memref<65536x512xf32, #tpu.memory_space<hbm>> -> memref<64x512xf32, #tpu.memory_space<hbm>>
        %dma_wait3A_145 = arith.constant 0 : i32
        %dma_wait3A_146 = arith.constant 0 : i32
        %dma_wait3A_147 = tpu.memref_slice %arg10[%sub3A_131, %dma_wait3A_145, %dma_wait3A_146] : memref<2x64x512xf32, #tpu.memory_space<vmem>> -> memref<1x64x512xf32, #tpu.memory_space<vmem>>
        %dma_wait3A_148 = tpu.memref_squeeze %dma_wait3A_147 : memref<1x64x512xf32, #tpu.memory_space<vmem>> -> memref<64x512xf32, #tpu.memory_space<vmem>>
        tpu.wait_dma2 semaphore(%dma_wait3A_142 : memref<!tpu.dma_semaphore, #tpu.memory_space<semaphore_mem>>) src(%dma_wait3A_148 : memref<64x512xf32, #tpu.memory_space<vmem>>) dst(%dma_wait3A_144 : memref<64x512xf32, #tpu.memory_space<hbm>>)
      } else {
      }
      %mul3A_107 = arith.constant 64 : i32
      %mul3A_108 = arith.muli %while3A_42, %mul3A_107 : i32
      %add3A_109 = arith.addi %multiple_of3A, %mul3A_108 : i32
      %dma_start3A = arith.constant 0 : i32
      %dma_start3A_110 = arith.constant 0 : i32
      %dma_start3A_111 = tpu.memref_slice %arg10[%and3A_43, %dma_start3A, %dma_start3A_110] : memref<2x64x512xf32, #tpu.memory_space<vmem>> -> memref<1x64x512xf32, #tpu.memory_space<vmem>>
      %dma_start3A_112 = tpu.memref_squeeze %dma_start3A_111 : memref<1x64x512xf32, #tpu.memory_space<vmem>> -> memref<64x512xf32, #tpu.memory_space<vmem>>
      %dma_start3A_113 = arith.constant 0 : i32
      %dma_start3A_114 = tpu.memref_slice %arg6[%add3A_109, %dma_start3A_113] : memref<65536x512xf32, #tpu.memory_space<hbm>> -> memref<64x512xf32, #tpu.memory_space<hbm>>
      %dma_start3A_115 = tpu.memref_slice %arg12[%and3A_43] : memref<2x!tpu.dma_semaphore, #tpu.memory_space<semaphore_mem>> -> memref<1x!tpu.dma_semaphore, #tpu.memory_space<semaphore_mem>>
      %dma_start3A_116 = tpu.memref_squeeze %dma_start3A_115 : memref<1x!tpu.dma_semaphore, #tpu.memory_space<semaphore_mem>> -> memref<!tpu.dma_semaphore, #tpu.memory_space<semaphore_mem>>
      %dma_start3A_117 = arith.constant 0 : i32
      %dma_start3A_118 = tpu.memref_slice %arg6[%add3A_109, %dma_start3A_117] : memref<65536x512xf32, #tpu.memory_space<hbm>> -> memref<64x512xf32, #tpu.memory_space<hbm>>
      %dma_start3A_119 = arith.constant 0 : i32
      %dma_start3A_120 = arith.constant 0 : i32
      %dma_start3A_121 = tpu.memref_slice %arg10[%and3A_43, %dma_start3A_119, %dma_start3A_120] : memref<2x64x512xf32, #tpu.memory_space<vmem>> -> memref<1x64x512xf32, #tpu.memory_space<vmem>>
      %dma_start3A_122 = tpu.memref_squeeze %dma_start3A_121 : memref<1x64x512xf32, #tpu.memory_space<vmem>> -> memref<64x512xf32, #tpu.memory_space<vmem>>
      tpu.enqueue_dma source(%dma_start3A_122 : memref<64x512xf32, #tpu.memory_space<vmem>>) target(%dma_start3A_118 : memref<64x512xf32, #tpu.memory_space<hbm>>) target_semaphore(%dma_start3A_116 : memref<!tpu.dma_semaphore, #tpu.memory_space<semaphore_mem>>)
      %add3A_123 = arith.constant 1 : i32
      %add3A_124 = arith.addi %while3A_42, %add3A_123 : i32
      %lt3A = arith.cmpi slt, %add3A_124, %shift_right_arithmetic3A_22 : i32
      %convert_element_type3A_125 = arith.extui %lt3A : i1 to i32
      %cond3A_126 = arith.constant 0 : i32
      %cond3A_127 = arith.cmpi ne, %convert_element_type3A_125, %cond3A_126 : i32
      scf.if %cond3A_127 {
        %add3A_128 = arith.constant 1 : i32
        %add3A_129 = arith.addi %while3A_42, %add3A_128 : i32
        %sub3A_130 = arith.constant 1 : i32
        %sub3A_131 = arith.subi %sub3A_130, %and3A_43 : i32
        %mul3A_132 = arith.constant 64 : i32
        %mul3A_133 = arith.muli %add3A_129, %mul3A_132 : i32
        %add3A_134 = arith.constant 0 : i32
        %add3A_135 = arith.addi %mul3A_133, %add3A_134 : i32
        %dma_start3A_136 = arith.constant 0 : i32
        %dma_start3A_137 = arith.constant 0 : i32
        %dma_start3A_138 = arith.constant 0 : i32
        %dma_start3A_139 = tpu.memref_slice %arg10[%sub3A_131, %dma_start3A_137, %dma_start3A_138] : memref<2x64x512xf32, #tpu.memory_space<vmem>> -> memref<1x16x512xf32, #tpu.memory_space<vmem>>
        %dma_start3A_140 = tpu.memref_squeeze %dma_start3A_139 : memref<1x16x512xf32, #tpu.memory_space<vmem>> -> memref<16x512xf32, #tpu.memory_space<vmem>>
        %dma_start3A_141 = tpu.memref_slice %arg7[%add3A_135] : memref<2048xi32, #tpu.memory_space<vmem>> -> memref<16xi32, #tpu.memory_space<vmem>>
        %dma_start3A_142 = arith.constant 0 : i32
        %dma_start3A_143 = arith.constant 0 : i32
        %dma_start3A_144 = tpu.memref_slice %arg2[%dma_start3A_142, %dma_start3A_143] : memref<65536x512xf32, #tpu.memory_space<hbm>> -> memref<65536x512xf32, #tpu.memory_space<hbm>>
        %dma_start3A_145 = tpu.memref_slice %arg11[%sub3A_131, %dma_start3A_136] : memref<2x4x!tpu.dma_semaphore, #tpu.memory_space<semaphore_mem>> -> memref<1x1x!tpu.dma_semaphore, #tpu.memory_space<semaphore_mem>>
        %dma_start3A_146 = tpu.memref_squeeze %dma_start3A_145 : memref<1x1x!tpu.dma_semaphore, #tpu.memory_space<semaphore_mem>> -> memref<!tpu.dma_semaphore, #tpu.memory_space<semaphore_mem>>
        tpu.enqueue_indirect_dma source(%dma_start3A_144 : memref<65536x512xf32, #tpu.memory_space<hbm>>) target(%dma_start3A_140 : memref<16x512xf32, #tpu.memory_space<vmem>>) offsets(%dma_start3A_141 : memref<16xi32, #tpu.memory_space<vmem>>) semaphore(%dma_start3A_146 : memref<!tpu.dma_semaphore, #tpu.memory_space<semaphore_mem>>)
        %mul3A_147 = arith.constant 64 : i32
        %mul3A_148 = arith.muli %add3A_129, %mul3A_147 : i32
        %add3A_149 = arith.constant 16 : i32
        %add3A_150 = arith.addi %mul3A_148, %add3A_149 : i32
        %dma_start3A_151 = arith.constant 1 : i32
        %dma_start3A_152 = arith.constant 16 : i32
        %dma_start3A_153 = arith.constant 0 : i32
        %dma_start3A_154 = tpu.memref_slice %arg10[%sub3A_131, %dma_start3A_152, %dma_start3A_153] : memref<2x64x512xf32, #tpu.memory_space<vmem>> -> memref<1x16x512xf32, #tpu.memory_space<vmem>>
        %dma_start3A_155 = tpu.memref_squeeze %dma_start3A_154 : memref<1x16x512xf32, #tpu.memory_space<vmem>> -> memref<16x512xf32, #tpu.memory_space<vmem>>
        %dma_start3A_156 = tpu.memref_slice %arg7[%add3A_150] : memref<2048xi32, #tpu.memory_space<vmem>> -> memref<16xi32, #tpu.memory_space<vmem>>
        %dma_start3A_157 = arith.constant 0 : i32
        %dma_start3A_158 = arith.constant 0 : i32
        %dma_start3A_159 = tpu.memref_slice %arg2[%dma_start3A_157, %dma_start3A_158] : memref<65536x512xf32, #tpu.memory_space<hbm>> -> memref<65536x512xf32, #tpu.memory_space<hbm>>
        %dma_start3A_160 = tpu.memref_slice %arg11[%sub3A_131, %dma_start3A_151] : memref<2x4x!tpu.dma_semaphore, #tpu.memory_space<semaphore_mem>> -> memref<1x1x!tpu.dma_semaphore, #tpu.memory_space<semaphore_mem>>
        %dma_start3A_161 = tpu.memref_squeeze %dma_start3A_160 : memref<1x1x!tpu.dma_semaphore, #tpu.memory_space<semaphore_mem>> -> memref<!tpu.dma_semaphore, #tpu.memory_space<semaphore_mem>>
        tpu.enqueue_indirect_dma source(%dma_start3A_159 : memref<65536x512xf32, #tpu.memory_space<hbm>>) target(%dma_start3A_155 : memref<16x512xf32, #tpu.memory_space<vmem>>) offsets(%dma_start3A_156 : memref<16xi32, #tpu.memory_space<vmem>>) semaphore(%dma_start3A_161 : memref<!tpu.dma_semaphore, #tpu.memory_space<semaphore_mem>>)
        %mul3A_162 = arith.constant 64 : i32
        %mul3A_163 = arith.muli %add3A_129, %mul3A_162 : i32
        %add3A_164 = arith.constant 32 : i32
        %add3A_165 = arith.addi %mul3A_163, %add3A_164 : i32
        %dma_start3A_166 = arith.constant 2 : i32
        %dma_start3A_167 = arith.constant 32 : i32
        %dma_start3A_168 = arith.constant 0 : i32
        %dma_start3A_169 = tpu.memref_slice %arg10[%sub3A_131, %dma_start3A_167, %dma_start3A_168] : memref<2x64x512xf32, #tpu.memory_space<vmem>> -> memref<1x16x512xf32, #tpu.memory_space<vmem>>
        %dma_start3A_170 = tpu.memref_squeeze %dma_start3A_169 : memref<1x16x512xf32, #tpu.memory_space<vmem>> -> memref<16x512xf32, #tpu.memory_space<vmem>>
        %dma_start3A_171 = tpu.memref_slice %arg7[%add3A_165] : memref<2048xi32, #tpu.memory_space<vmem>> -> memref<16xi32, #tpu.memory_space<vmem>>
        %dma_start3A_172 = arith.constant 0 : i32
        %dma_start3A_173 = arith.constant 0 : i32
        %dma_start3A_174 = tpu.memref_slice %arg2[%dma_start3A_172, %dma_start3A_173] : memref<65536x512xf32, #tpu.memory_space<hbm>> -> memref<65536x512xf32, #tpu.memory_space<hbm>>
        %dma_start3A_175 = tpu.memref_slice %arg11[%sub3A_131, %dma_start3A_166] : memref<2x4x!tpu.dma_semaphore, #tpu.memory_space<semaphore_mem>> -> memref<1x1x!tpu.dma_semaphore, #tpu.memory_space<semaphore_mem>>
        %dma_start3A_176 = tpu.memref_squeeze %dma_start3A_175 : memref<1x1x!tpu.dma_semaphore, #tpu.memory_space<semaphore_mem>> -> memref<!tpu.dma_semaphore, #tpu.memory_space<semaphore_mem>>
        tpu.enqueue_indirect_dma source(%dma_start3A_174 : memref<65536x512xf32, #tpu.memory_space<hbm>>) target(%dma_start3A_170 : memref<16x512xf32, #tpu.memory_space<vmem>>) offsets(%dma_start3A_171 : memref<16xi32, #tpu.memory_space<vmem>>) semaphore(%dma_start3A_176 : memref<!tpu.dma_semaphore, #tpu.memory_space<semaphore_mem>>)
        %mul3A_177 = arith.constant 64 : i32
        %mul3A_178 = arith.muli %add3A_129, %mul3A_177 : i32
        %add3A_179 = arith.constant 48 : i32
        %add3A_180 = arith.addi %mul3A_178, %add3A_179 : i32
        %dma_start3A_181 = arith.constant 3 : i32
        %dma_start3A_182 = arith.constant 48 : i32
        %dma_start3A_183 = arith.constant 0 : i32
        %dma_start3A_184 = tpu.memref_slice %arg10[%sub3A_131, %dma_start3A_182, %dma_start3A_183] : memref<2x64x512xf32, #tpu.memory_space<vmem>> -> memref<1x16x512xf32, #tpu.memory_space<vmem>>
        %dma_start3A_185 = tpu.memref_squeeze %dma_start3A_184 : memref<1x16x512xf32, #tpu.memory_space<vmem>> -> memref<16x512xf32, #tpu.memory_space<vmem>>
        %dma_start3A_186 = tpu.memref_slice %arg7[%add3A_180] : memref<2048xi32, #tpu.memory_space<vmem>> -> memref<16xi32, #tpu.memory_space<vmem>>
        %dma_start3A_187 = arith.constant 0 : i32
        %dma_start3A_188 = arith.constant 0 : i32
        %dma_start3A_189 = tpu.memref_slice %arg2[%dma_start3A_187, %dma_start3A_188] : memref<65536x512xf32, #tpu.memory_space<hbm>> -> memref<65536x512xf32, #tpu.memory_space<hbm>>
        %dma_start3A_190 = tpu.memref_slice %arg11[%sub3A_131, %dma_start3A_181] : memref<2x4x!tpu.dma_semaphore, #tpu.memory_space<semaphore_mem>> -> memref<1x1x!tpu.dma_semaphore, #tpu.memory_space<semaphore_mem>>
        %dma_start3A_191 = tpu.memref_squeeze %dma_start3A_190 : memref<1x1x!tpu.dma_semaphore, #tpu.memory_space<semaphore_mem>> -> memref<!tpu.dma_semaphore, #tpu.memory_space<semaphore_mem>>
        tpu.enqueue_indirect_dma source(%dma_start3A_189 : memref<65536x512xf32, #tpu.memory_space<hbm>>) target(%dma_start3A_185 : memref<16x512xf32, #tpu.memory_space<vmem>>) offsets(%dma_start3A_186 : memref<16xi32, #tpu.memory_space<vmem>>) semaphore(%dma_start3A_191 : memref<!tpu.dma_semaphore, #tpu.memory_space<semaphore_mem>>)
      } else {
      }
    }
    %gt3A_37 = arith.constant 0 : i32
    %gt3A_38 = arith.cmpi sgt, %shift_right_arithmetic3A_22, %gt3A_37 : i32
    %convert_element_type3A_39 = arith.extui %gt3A_38 : i1 to i32
    %cond3A_40 = arith.constant 0 : i32
    %cond3A_41 = arith.cmpi ne, %convert_element_type3A_39, %cond3A_40 : i32
    scf.if %cond3A_41 {
      %sub3A_42 = arith.constant 1 : i32
      %sub3A_43 = arith.subi %shift_right_arithmetic3A_22, %sub3A_42 : i32
      %sub3A_44 = arith.constant 1 : i32
      %sub3A_45 = arith.subi %shift_right_arithmetic3A_22, %sub3A_44 : i32
      %and3A = arith.constant 1 : i32
      %and3A_46 = arith.andi %sub3A_45, %and3A : i32
      %mul3A_47 = arith.constant 64 : i32
      %mul3A_48 = arith.muli %sub3A_43, %mul3A_47 : i32
      %add3A_49 = arith.addi %multiple_of3A, %mul3A_48 : i32
      %dma_wait3A = arith.constant 0 : i32
      %dma_wait3A_50 = arith.constant 0 : i32
      %dma_wait3A_51 = tpu.memref_slice %arg10[%and3A_46, %dma_wait3A, %dma_wait3A_50] : memref<2x64x512xf32, #tpu.memory_space<vmem>> -> memref<1x64x512xf32, #tpu.memory_space<vmem>>
      %dma_wait3A_52 = tpu.memref_squeeze %dma_wait3A_51 : memref<1x64x512xf32, #tpu.memory_space<vmem>> -> memref<64x512xf32, #tpu.memory_space<vmem>>
      %dma_wait3A_53 = arith.constant 0 : i32
      %dma_wait3A_54 = tpu.memref_slice %arg6[%add3A_49, %dma_wait3A_53] : memref<65536x512xf32, #tpu.memory_space<hbm>> -> memref<64x512xf32, #tpu.memory_space<hbm>>
      %dma_wait3A_55 = tpu.memref_slice %arg12[%and3A_46] : memref<2x!tpu.dma_semaphore, #tpu.memory_space<semaphore_mem>> -> memref<1x!tpu.dma_semaphore, #tpu.memory_space<semaphore_mem>>
      %dma_wait3A_56 = tpu.memref_squeeze %dma_wait3A_55 : memref<1x!tpu.dma_semaphore, #tpu.memory_space<semaphore_mem>> -> memref<!tpu.dma_semaphore, #tpu.memory_space<semaphore_mem>>
      %dma_wait3A_57 = arith.constant 0 : i32
      %dma_wait3A_58 = tpu.memref_slice %arg6[%add3A_49, %dma_wait3A_57] : memref<65536x512xf32, #tpu.memory_space<hbm>> -> memref<64x512xf32, #tpu.memory_space<hbm>>
      %dma_wait3A_59 = arith.constant 0 : i32
      %dma_wait3A_60 = arith.constant 0 : i32
      %dma_wait3A_61 = tpu.memref_slice %arg10[%and3A_46, %dma_wait3A_59, %dma_wait3A_60] : memref<2x64x512xf32, #tpu.memory_space<vmem>> -> memref<1x64x512xf32, #tpu.memory_space<vmem>>
      %dma_wait3A_62 = tpu.memref_squeeze %dma_wait3A_61 : memref<1x64x512xf32, #tpu.memory_space<vmem>> -> memref<64x512xf32, #tpu.memory_space<vmem>>
      tpu.wait_dma2 semaphore(%dma_wait3A_56 : memref<!tpu.dma_semaphore, #tpu.memory_space<semaphore_mem>>) src(%dma_wait3A_62 : memref<64x512xf32, #tpu.memory_space<vmem>>) dst(%dma_wait3A_58 : memref<64x512xf32, #tpu.memory_space<hbm>>)
    } else {
    }
    return
  }
}

#map = affine_map<(d0, d1) -> (0, 0)>
#map1 = affine_map<(d0, d1) -> (0)>
module attributes {stable_mosaic.version = 14 : i64} {
  func.func @_scatter_back(%arg0: i32, %arg1: i32, %arg2: memref<32x2048xi32, #tpu.memory_space<hbm>>, %arg3: memref<32x16xi32, #tpu.memory_space<hbm>>, %arg4: memref<32x16xi32, #tpu.memory_space<hbm>>, %arg5: memref<65536xf32, #tpu.memory_space<hbm>>, %arg6: memref<65536xf32, #tpu.memory_space<hbm>>, %arg7: memref<65536xf32, #tpu.memory_space<hbm>>, %arg8: memref<2048xi32, #tpu.memory_space<vmem>>, %arg9: memref<2048xf32, #tpu.memory_space<vmem>>, %arg10: memref<2048xf32, #tpu.memory_space<vmem>>, %arg11: memref<16xi32, #tpu.memory_space<vmem>>, %arg12: memref<16xi32, #tpu.memory_space<vmem>>) attributes {dimension_semantics = [#tpu.dimension_semantics<core_parallel>, #tpu.dimension_semantics<subcore_parallel>], iteration_bounds = array<i64: 2, 16>, scalar_prefetch = 0 : i64, scratch_operands = 5 : i64, tpu.core_type = #tpu.core_type<sc_vector_subcore>, window_params = [{transform_indices = #map}, {transform_indices = #map}, {transform_indices = #map}, {transform_indices = #map1}, {transform_indices = #map1}, {transform_indices = #map1}]} {
    %mul3A = arith.constant 2 : i32
    %mul3A_0 = arith.muli %arg1, %mul3A : i32
    %add3A = arith.addi %mul3A_0, %arg0 : i32
    %mul3A_1 = arith.constant 2048 : i32
    %mul3A_2 = arith.muli %add3A, %mul3A_1 : i32
    "tpu.region"() ({
      %run_scoped3A = tpu.sem_alloc : memref<!tpu.dma_semaphore, #tpu.memory_space<semaphore_mem>>
      %dma_start3A = arith.constant 0 : i32
      %dma_start3A_36 = tpu.memref_slice %arg3[%add3A, %dma_start3A] : memref<32x16xi32, #tpu.memory_space<hbm>> -> memref<1x16xi32, #tpu.memory_space<hbm>>
      %dma_start3A_37 = tpu.memref_squeeze %dma_start3A_36 : memref<1x16xi32, #tpu.memory_space<hbm>> -> memref<16xi32, #tpu.memory_space<hbm>>
      %dma_start3A_38 = arith.constant 0 : i32
      %dma_start3A_39 = tpu.memref_slice %arg3[%add3A, %dma_start3A_38] : memref<32x16xi32, #tpu.memory_space<hbm>> -> memref<1x16xi32, #tpu.memory_space<hbm>>
      %dma_start3A_40 = tpu.memref_squeeze %dma_start3A_39 : memref<1x16xi32, #tpu.memory_space<hbm>> -> memref<16xi32, #tpu.memory_space<hbm>>
      tpu.enqueue_dma source(%dma_start3A_40 : memref<16xi32, #tpu.memory_space<hbm>>) target(%arg11 : memref<16xi32, #tpu.memory_space<vmem>>) target_semaphore(%run_scoped3A : memref<!tpu.dma_semaphore, #tpu.memory_space<semaphore_mem>>)
      %dma_wait3A = arith.constant 0 : i32
      %dma_wait3A_41 = tpu.memref_slice %arg3[%add3A, %dma_wait3A] : memref<32x16xi32, #tpu.memory_space<hbm>> -> memref<1x16xi32, #tpu.memory_space<hbm>>
      %dma_wait3A_42 = tpu.memref_squeeze %dma_wait3A_41 : memref<1x16xi32, #tpu.memory_space<hbm>> -> memref<16xi32, #tpu.memory_space<hbm>>
      %dma_wait3A_43 = arith.constant 0 : i32
      %dma_wait3A_44 = tpu.memref_slice %arg3[%add3A, %dma_wait3A_43] : memref<32x16xi32, #tpu.memory_space<hbm>> -> memref<1x16xi32, #tpu.memory_space<hbm>>
      %dma_wait3A_45 = tpu.memref_squeeze %dma_wait3A_44 : memref<1x16xi32, #tpu.memory_space<hbm>> -> memref<16xi32, #tpu.memory_space<hbm>>
      tpu.wait_dma2 semaphore(%run_scoped3A : memref<!tpu.dma_semaphore, #tpu.memory_space<semaphore_mem>>) src(%dma_wait3A_45 : memref<16xi32, #tpu.memory_space<hbm>>) dst(%arg11 : memref<16xi32, #tpu.memory_space<vmem>>)
      tpu.yield
    }) : () -> ()
    "tpu.region"() ({
      %run_scoped3A = tpu.sem_alloc : memref<!tpu.dma_semaphore, #tpu.memory_space<semaphore_mem>>
      %dma_start3A = arith.constant 0 : i32
      %dma_start3A_36 = tpu.memref_slice %arg4[%add3A, %dma_start3A] : memref<32x16xi32, #tpu.memory_space<hbm>> -> memref<1x16xi32, #tpu.memory_space<hbm>>
      %dma_start3A_37 = tpu.memref_squeeze %dma_start3A_36 : memref<1x16xi32, #tpu.memory_space<hbm>> -> memref<16xi32, #tpu.memory_space<hbm>>
      %dma_start3A_38 = arith.constant 0 : i32
      %dma_start3A_39 = tpu.memref_slice %arg4[%add3A, %dma_start3A_38] : memref<32x16xi32, #tpu.memory_space<hbm>> -> memref<1x16xi32, #tpu.memory_space<hbm>>
      %dma_start3A_40 = tpu.memref_squeeze %dma_start3A_39 : memref<1x16xi32, #tpu.memory_space<hbm>> -> memref<16xi32, #tpu.memory_space<hbm>>
      tpu.enqueue_dma source(%dma_start3A_40 : memref<16xi32, #tpu.memory_space<hbm>>) target(%arg12 : memref<16xi32, #tpu.memory_space<vmem>>) target_semaphore(%run_scoped3A : memref<!tpu.dma_semaphore, #tpu.memory_space<semaphore_mem>>)
      %dma_wait3A = arith.constant 0 : i32
      %dma_wait3A_41 = tpu.memref_slice %arg4[%add3A, %dma_wait3A] : memref<32x16xi32, #tpu.memory_space<hbm>> -> memref<1x16xi32, #tpu.memory_space<hbm>>
      %dma_wait3A_42 = tpu.memref_squeeze %dma_wait3A_41 : memref<1x16xi32, #tpu.memory_space<hbm>> -> memref<16xi32, #tpu.memory_space<hbm>>
      %dma_wait3A_43 = arith.constant 0 : i32
      %dma_wait3A_44 = tpu.memref_slice %arg4[%add3A, %dma_wait3A_43] : memref<32x16xi32, #tpu.memory_space<hbm>> -> memref<1x16xi32, #tpu.memory_space<hbm>>
      %dma_wait3A_45 = tpu.memref_squeeze %dma_wait3A_44 : memref<1x16xi32, #tpu.memory_space<hbm>> -> memref<16xi32, #tpu.memory_space<hbm>>
      tpu.wait_dma2 semaphore(%run_scoped3A : memref<!tpu.dma_semaphore, #tpu.memory_space<semaphore_mem>>) src(%dma_wait3A_45 : memref<16xi32, #tpu.memory_space<hbm>>) dst(%arg12 : memref<16xi32, #tpu.memory_space<vmem>>)
      tpu.yield
    }) : () -> ()
    "tpu.region"() ({
      %run_scoped3A = tpu.sem_alloc : memref<!tpu.dma_semaphore, #tpu.memory_space<semaphore_mem>>
      %dma_start3A = tpu.memref_slice %arg6[%mul3A_2] : memref<65536xf32, #tpu.memory_space<hbm>> -> memref<2048xf32, #tpu.memory_space<hbm>>
      %dma_start3A_36 = tpu.memref_slice %arg6[%mul3A_2] : memref<65536xf32, #tpu.memory_space<hbm>> -> memref<2048xf32, #tpu.memory_space<hbm>>
      tpu.enqueue_dma source(%dma_start3A_36 : memref<2048xf32, #tpu.memory_space<hbm>>) target(%arg10 : memref<2048xf32, #tpu.memory_space<vmem>>) target_semaphore(%run_scoped3A : memref<!tpu.dma_semaphore, #tpu.memory_space<semaphore_mem>>)
      %dma_wait3A = tpu.memref_slice %arg6[%mul3A_2] : memref<65536xf32, #tpu.memory_space<hbm>> -> memref<2048xf32, #tpu.memory_space<hbm>>
      %dma_wait3A_37 = tpu.memref_slice %arg6[%mul3A_2] : memref<65536xf32, #tpu.memory_space<hbm>> -> memref<2048xf32, #tpu.memory_space<hbm>>
      tpu.wait_dma2 semaphore(%run_scoped3A : memref<!tpu.dma_semaphore, #tpu.memory_space<semaphore_mem>>) src(%dma_wait3A_37 : memref<2048xf32, #tpu.memory_space<hbm>>) dst(%arg10 : memref<2048xf32, #tpu.memory_space<vmem>>)
      tpu.yield
    }) : () -> ()
    "tpu.region"() ({
      %run_scoped3A = tpu.sem_alloc : memref<!tpu.dma_semaphore, #tpu.memory_space<semaphore_mem>>
      %dma_start3A = arith.constant 0 : i32
      %dma_start3A_36 = tpu.memref_slice %arg2[%add3A, %dma_start3A] : memref<32x2048xi32, #tpu.memory_space<hbm>> -> memref<1x2048xi32, #tpu.memory_space<hbm>>
      %dma_start3A_37 = tpu.memref_squeeze %dma_start3A_36 : memref<1x2048xi32, #tpu.memory_space<hbm>> -> memref<2048xi32, #tpu.memory_space<hbm>>
      %dma_start3A_38 = arith.constant 0 : i32
      %dma_start3A_39 = tpu.memref_slice %arg2[%add3A, %dma_start3A_38] : memref<32x2048xi32, #tpu.memory_space<hbm>> -> memref<1x2048xi32, #tpu.memory_space<hbm>>
      %dma_start3A_40 = tpu.memref_squeeze %dma_start3A_39 : memref<1x2048xi32, #tpu.memory_space<hbm>> -> memref<2048xi32, #tpu.memory_space<hbm>>
      tpu.enqueue_dma source(%dma_start3A_40 : memref<2048xi32, #tpu.memory_space<hbm>>) target(%arg8 : memref<2048xi32, #tpu.memory_space<vmem>>) target_semaphore(%run_scoped3A : memref<!tpu.dma_semaphore, #tpu.memory_space<semaphore_mem>>)
      %dma_wait3A = arith.constant 0 : i32
      %dma_wait3A_41 = tpu.memref_slice %arg2[%add3A, %dma_wait3A] : memref<32x2048xi32, #tpu.memory_space<hbm>> -> memref<1x2048xi32, #tpu.memory_space<hbm>>
      %dma_wait3A_42 = tpu.memref_squeeze %dma_wait3A_41 : memref<1x2048xi32, #tpu.memory_space<hbm>> -> memref<2048xi32, #tpu.memory_space<hbm>>
      %dma_wait3A_43 = arith.constant 0 : i32
      %dma_wait3A_44 = tpu.memref_slice %arg2[%add3A, %dma_wait3A_43] : memref<32x2048xi32, #tpu.memory_space<hbm>> -> memref<1x2048xi32, #tpu.memory_space<hbm>>
      %dma_wait3A_45 = tpu.memref_squeeze %dma_wait3A_44 : memref<1x2048xi32, #tpu.memory_space<hbm>> -> memref<2048xi32, #tpu.memory_space<hbm>>
      tpu.wait_dma2 semaphore(%run_scoped3A : memref<!tpu.dma_semaphore, #tpu.memory_space<semaphore_mem>>) src(%dma_wait3A_45 : memref<2048xi32, #tpu.memory_space<hbm>>) dst(%arg8 : memref<2048xi32, #tpu.memory_space<vmem>>)
      tpu.yield
    }) : () -> ()
    %get3A = arith.constant 0 : index
    %get3A_3 = tpu.vector_load %arg11[%get3A] {strides = array<i32>} : memref<16xi32, #tpu.memory_space<vmem>>, vector<16xi32>,
    %reduce_max3A = arith.constant true
    %reduce_max3A_4 = vector.broadcast %reduce_max3A : i1 to vector<16xi1>
    %reduce_max3A_5 = arith.constant -2147483648 : i32
    %reduce_max3A_6 = vector.broadcast %reduce_max3A_5 : i32 to vector<16xi32>
    %reduce_max3A_7 = arith.xori %get3A_3, %reduce_max3A_6 : vector<16xi32>
    %reduce_max3A_8 = tpu.scan <max>, %reduce_max3A_7 masked %reduce_max3A_4 : vector<16xi32>, vector<16xi1> -> vector<16xi32>
    %reduce_max3A_9 = arith.xori %reduce_max3A_8, %reduce_max3A_6 : vector<16xi32>
    %reduce_max3A_10 = vector.extract %reduce_max3A_9[15] : i32 from vector<16xi32>
    %get3A_11 = arith.constant 0 : index
    %get3A_12 = tpu.vector_load %arg12[%get3A_11] {strides = array<i32>} : memref<16xi32, #tpu.memory_space<vmem>>, vector<16xi32>,
    %reduce_max3A_13 = arith.constant true
    %reduce_max3A_14 = vector.broadcast %reduce_max3A_13 : i1 to vector<16xi1>
    %reduce_max3A_15 = arith.constant -2147483648 : i32
    %reduce_max3A_16 = vector.broadcast %reduce_max3A_15 : i32 to vector<16xi32>
    %reduce_max3A_17 = arith.xori %get3A_12, %reduce_max3A_16 : vector<16xi32>
    %reduce_max3A_18 = tpu.scan <max>, %reduce_max3A_17 masked %reduce_max3A_14 : vector<16xi32>, vector<16xi1> -> vector<16xi32>
    %reduce_max3A_19 = arith.xori %reduce_max3A_18, %reduce_max3A_16 : vector<16xi32>
    %reduce_max3A_20 = vector.extract %reduce_max3A_19[15] : i32 from vector<16xi32>
    %mul3A_21 = arith.constant 32768 : i32
    %mul3A_22 = arith.muli %arg0, %mul3A_21 : i32
    %add3A_23 = arith.addi %mul3A_22, %reduce_max3A_20 : i32
    %multiple_of3A = tpu.assume_multiple %add3A_23, 8 : i32
    "tpu.region"() ({
      %run_scoped3A = tpu.sem_alloc : memref<!tpu.dma_semaphore, #tpu.memory_space<semaphore_mem>>
      %dma_start3A = tpu.memref_slice %arg5[%multiple_of3A] : memref<65536xf32, #tpu.memory_space<hbm>> -> memref<2048xf32, #tpu.memory_space<hbm>>
      %dma_start3A_36 = tpu.memref_slice %arg5[%multiple_of3A] : memref<65536xf32, #tpu.memory_space<hbm>> -> memref<2048xf32, #tpu.memory_space<hbm>>
      tpu.enqueue_dma source(%dma_start3A_36 : memref<2048xf32, #tpu.memory_space<hbm>>) target(%arg9 : memref<2048xf32, #tpu.memory_space<vmem>>) target_semaphore(%run_scoped3A : memref<!tpu.dma_semaphore, #tpu.memory_space<semaphore_mem>>)
      %dma_wait3A = tpu.memref_slice %arg5[%multiple_of3A] : memref<65536xf32, #tpu.memory_space<hbm>> -> memref<2048xf32, #tpu.memory_space<hbm>>
      %dma_wait3A_37 = tpu.memref_slice %arg5[%multiple_of3A] : memref<65536xf32, #tpu.memory_space<hbm>> -> memref<2048xf32, #tpu.memory_space<hbm>>
      tpu.wait_dma2 semaphore(%run_scoped3A : memref<!tpu.dma_semaphore, #tpu.memory_space<semaphore_mem>>) src(%dma_wait3A_37 : memref<2048xf32, #tpu.memory_space<hbm>>) dst(%arg9 : memref<2048xf32, #tpu.memory_space<vmem>>)
      tpu.yield
    }) : () -> ()
    %iota3A = tpu.iota {dimensions = array<i32: 0>} : vector<16xi32>
    %add3A_24 = arith.constant 15 : i32
    %add3A_25 = arith.addi %reduce_max3A_10, %add3A_24 : i32
    %shift_right_arithmetic3A = arith.constant 4 : i32
    %shift_right_arithmetic3A_26 = arith.shrsi %add3A_25, %shift_right_arithmetic3A : i32
    %while3A = arith.constant 0 : i32
    %while3A_27 = arith.constant 0 : i32
    %while3A_28 = arith.subi %shift_right_arithmetic3A_26, %while3A_27 : i32
    %while3A_29 = arith.addi %while3A_27, %while3A_28 : i32
    %while3A_30 = arith.constant 1 : i32
    %while3A_31 = arith.divsi %while3A_28, %while3A_30 : i32
    %while3A_32 = arith.muli %while3A_31, %while3A_30 : i32
    %while3A_33 = arith.addi %while3A_27, %while3A_32 : i32
    %while3A_34 = arith.constant 1 : i32
    scf.for %while3A_36 = %while3A_27 to %while3A_33 step %while3A_34  : i32 {
      %mul3A_37 = arith.constant 16 : i32
      %mul3A_38 = arith.muli %while3A_36, %mul3A_37 : i32
      %get3A_39 = arith.index_cast %mul3A_38 : i32 to index
      %get3A_40 = tpu.vector_load %arg8[%get3A_39] {strides = array<i32>} : memref<2048xi32, #tpu.memory_space<vmem>>, vector<16xi32>,
      %sub3A = vector.broadcast %mul3A_2 : i32 to vector<16xi32>
      %sub3A_41 = arith.subi %get3A_40, %sub3A : vector<16xi32>
      %mul3A_42 = arith.constant 16 : i32
      %mul3A_43 = arith.muli %while3A_36, %mul3A_42 : i32
      %get3A_44 = arith.index_cast %mul3A_43 : i32 to index
      %get3A_45 = tpu.vector_load %arg9[%get3A_44] {strides = array<i32>} : memref<2048xf32, #tpu.memory_space<vmem>>, vector<16xf32>,
      %mul3A_46 = arith.constant 16 : i32
      %mul3A_47 = arith.muli %while3A_36, %mul3A_46 : i32
      %add3A_48 = vector.broadcast %mul3A_47 : i32 to vector<16xi32>
      %add3A_49 = arith.addi %add3A_48, %iota3A : vector<16xi32>
      %lt3A = vector.broadcast %reduce_max3A_10 : i32 to vector<16xi32>
      %lt3A_50 = arith.cmpi slt, %add3A_49, %lt3A : vector<16xi32>
      tpu.vector_store_idx %arg10[%sub3A_41], %get3A_45 masked %lt3A_50 : memref<2048xf32, #tpu.memory_space<vmem>>[vector<16xi32>], vector<16xf32>, vector<16xi1>
    }
    %while3A_35 = arith.constant 1 : i32
    scf.for %while3A_36 = %while3A_33 to %while3A_29 step %while3A_35  : i32 {
      %mul3A_37 = arith.constant 16 : i32
      %mul3A_38 = arith.muli %while3A_36, %mul3A_37 : i32
      %get3A_39 = arith.index_cast %mul3A_38 : i32 to index
      %get3A_40 = tpu.vector_load %arg8[%get3A_39] {strides = array<i32>} : memref<2048xi32, #tpu.memory_space<vmem>>, vector<16xi32>,
      %sub3A = vector.broadcast %mul3A_2 : i32 to vector<16xi32>
      %sub3A_41 = arith.subi %get3A_40, %sub3A : vector<16xi32>
      %mul3A_42 = arith.constant 16 : i32
      %mul3A_43 = arith.muli %while3A_36, %mul3A_42 : i32
      %get3A_44 = arith.index_cast %mul3A_43 : i32 to index
      %get3A_45 = tpu.vector_load %arg9[%get3A_44] {strides = array<i32>} : memref<2048xf32, #tpu.memory_space<vmem>>, vector<16xf32>,
      %mul3A_46 = arith.constant 16 : i32
      %mul3A_47 = arith.muli %while3A_36, %mul3A_46 : i32
      %add3A_48 = vector.broadcast %mul3A_47 : i32 to vector<16xi32>
      %add3A_49 = arith.addi %add3A_48, %iota3A : vector<16xi32>
      %lt3A = vector.broadcast %reduce_max3A_10 : i32 to vector<16xi32>
      %lt3A_50 = arith.cmpi slt, %add3A_49, %lt3A : vector<16xi32>
      tpu.vector_store_idx %arg10[%sub3A_41], %get3A_45 masked %lt3A_50 : memref<2048xf32, #tpu.memory_space<vmem>>[vector<16xi32>], vector<16xf32>, vector<16xi1>
    }
    "tpu.region"() ({
      %run_scoped3A = tpu.sem_alloc : memref<!tpu.dma_semaphore, #tpu.memory_space<semaphore_mem>>
      %dma_start3A = tpu.memref_slice %arg7[%mul3A_2] : memref<65536xf32, #tpu.memory_space<hbm>> -> memref<2048xf32, #tpu.memory_space<hbm>>
      %dma_start3A_36 = tpu.memref_slice %arg7[%mul3A_2] : memref<65536xf32, #tpu.memory_space<hbm>> -> memref<2048xf32, #tpu.memory_space<hbm>>
      tpu.enqueue_dma source(%arg10 : memref<2048xf32, #tpu.memory_space<vmem>>) target(%dma_start3A_36 : memref<2048xf32, #tpu.memory_space<hbm>>) target_semaphore(%run_scoped3A : memref<!tpu.dma_semaphore, #tpu.memory_space<semaphore_mem>>)
      %dma_wait3A = tpu.memref_slice %arg7[%mul3A_2] : memref<65536xf32, #tpu.memory_space<hbm>> -> memref<2048xf32, #tpu.memory_space<hbm>>
      %dma_wait3A_37 = tpu.memref_slice %arg7[%mul3A_2] : memref<65536xf32, #tpu.memory_space<hbm>> -> memref<2048xf32, #tpu.memory_space<hbm>>
      tpu.wait_dma2 semaphore(%run_scoped3A : memref<!tpu.dma_semaphore, #tpu.memory_space<semaphore_mem>>) src(%arg10 : memref<2048xf32, #tpu.memory_space<vmem>>) dst(%dma_wait3A_37 : memref<2048xf32, #tpu.memory_space<hbm>>)
      tpu.yield
    }) : () -> ()
    return
  }
}

#map = affine_map<(d0, d1) -> (0)>
#map1 = affine_map<(d0, d1) -> (0, 0)>
module attributes {stable_mosaic.version = 14 : i64} {
  func.func @_compact(%arg0: i32, %arg1: i32, %arg2: memref<65536xi32, #tpu.memory_space<hbm>>, %arg3: memref<16xi32, #tpu.memory_space<hbm>>, %arg4: memref<32x2048xi32, #tpu.memory_space<hbm>>, %arg5: memref<32x16xi32, #tpu.memory_space<hbm>>, %arg6: memref<2048xi32, #tpu.memory_space<vmem>>, %arg7: memref<2048xi32, #tpu.memory_space<vmem>>, %arg8: memref<16xi32, #tpu.memory_space<vmem>>, %arg9: memref<16xi32, #tpu.memory_space<vmem>>) attributes {dimension_semantics = [#tpu.dimension_semantics<core_parallel>, #tpu.dimension_semantics<subcore_parallel>], iteration_bounds = array<i64: 2, 16>, scalar_prefetch = 0 : i64, scratch_operands = 4 : i64, tpu.core_type = #tpu.core_type<sc_vector_subcore>, window_params = [{transform_indices = #map}, {transform_indices = #map}, {transform_indices = #map1}, {transform_indices = #map1}]} {
    %mul3A = arith.constant 2 : i32
    %mul3A_0 = arith.muli %arg1, %mul3A : i32
    %add3A = arith.addi %mul3A_0, %arg0 : i32
    %mul3A_1 = arith.constant 2048 : i32
    %mul3A_2 = arith.muli %add3A, %mul3A_1 : i32
    "tpu.region"() ({
      %run_scoped3A = tpu.sem_alloc : memref<!tpu.dma_semaphore, #tpu.memory_space<semaphore_mem>>
      %dma_start3A = tpu.memref_slice %arg2[%mul3A_2] : memref<65536xi32, #tpu.memory_space<hbm>> -> memref<2048xi32, #tpu.memory_space<hbm>>
      %dma_start3A_19 = tpu.memref_slice %arg2[%mul3A_2] : memref<65536xi32, #tpu.memory_space<hbm>> -> memref<2048xi32, #tpu.memory_space<hbm>>
      tpu.enqueue_dma source(%dma_start3A_19 : memref<2048xi32, #tpu.memory_space<hbm>>) target(%arg6 : memref<2048xi32, #tpu.memory_space<vmem>>) target_semaphore(%run_scoped3A : memref<!tpu.dma_semaphore, #tpu.memory_space<semaphore_mem>>)
      %dma_wait3A = tpu.memref_slice %arg2[%mul3A_2] : memref<65536xi32, #tpu.memory_space<hbm>> -> memref<2048xi32, #tpu.memory_space<hbm>>
      %dma_wait3A_20 = tpu.memref_slice %arg2[%mul3A_2] : memref<65536xi32, #tpu.memory_space<hbm>> -> memref<2048xi32, #tpu.memory_space<hbm>>
      tpu.wait_dma2 semaphore(%run_scoped3A : memref<!tpu.dma_semaphore, #tpu.memory_space<semaphore_mem>>) src(%dma_wait3A_20 : memref<2048xi32, #tpu.memory_space<hbm>>) dst(%arg6 : memref<2048xi32, #tpu.memory_space<vmem>>)
      tpu.yield
    }) : () -> ()
    "tpu.region"() ({
      %run_scoped3A = tpu.sem_alloc : memref<!tpu.dma_semaphore, #tpu.memory_space<semaphore_mem>>
      tpu.enqueue_dma source(%arg3 : memref<16xi32, #tpu.memory_space<hbm>>) target(%arg8 : memref<16xi32, #tpu.memory_space<vmem>>) target_semaphore(%run_scoped3A : memref<!tpu.dma_semaphore, #tpu.memory_space<semaphore_mem>>)
      tpu.wait_dma2 semaphore(%run_scoped3A : memref<!tpu.dma_semaphore, #tpu.memory_space<semaphore_mem>>) src(%arg3 : memref<16xi32, #tpu.memory_space<hbm>>) dst(%arg8 : memref<16xi32, #tpu.memory_space<vmem>>)
      tpu.yield
    }) : () -> ()
    %get3A = arith.constant 0 : index
    %get3A_3 = tpu.vector_load %arg8[%get3A] {strides = array<i32>} : memref<16xi32, #tpu.memory_space<vmem>>, vector<16xi32>,
    %iota3A = tpu.iota {dimensions = array<i32: 0>} : vector<16xi32>
    %broadcast_in_dim3A = arith.constant 0 : i32
    %broadcast_in_dim3A_4 = vector.broadcast %broadcast_in_dim3A : i32 to vector<16xi32>
    %scan3A = arith.constant 0 : i32
    %scan3A_5 = arith.constant 0 : i32
    %scan3A_6 = arith.constant 128 : i32
    %scan3A_7 = arith.addi %scan3A_5, %scan3A_6 : i32
    %scan3A_8 = arith.constant 1 : i32
    scf.for %scan3A_19 = %scan3A_5 to %scan3A_7 step %scan3A_8  : i32 {
      %mul3A_20 = arith.constant 16 : i32
      %mul3A_21 = arith.muli %scan3A_19, %mul3A_20 : i32
      %swap3A_22 = arith.index_cast %mul3A_21 : i32 to index
      %swap3A_23 = tpu.vector_load %arg7[%swap3A_22] {strides = array<i32>} : memref<2048xi32, #tpu.memory_space<vmem>>, vector<16xi32>,
      tpu.vector_store %arg7[%swap3A_22], %broadcast_in_dim3A_4 {strides = array<i32>} : memref<2048xi32, #tpu.memory_space<vmem>>, vector<16xi32>,
    }
    %scan3A_9 = arith.constant 128 : i32
    %broadcast_in_dim3A_10 = arith.constant 0 : i32
    %broadcast_in_dim3A_11 = vector.broadcast %broadcast_in_dim3A_10 : i32 to vector<16xi32>
    %scan3A_12 = arith.constant 0 : i32
    %scan3A_13 = arith.constant 128 : i32
    %scan3A_14 = arith.addi %scan3A_12, %scan3A_13 : i32
    %scan3A_15 = arith.constant 1 : i32
    %scan3A_16 = scf.for %scan3A_19 = %scan3A_12 to %scan3A_14 step %scan3A_15 iter_args(%scan3A_20 = %broadcast_in_dim3A_11) -> (vector<16xi32>)  : i32 {
      %mul3A_21 = arith.constant 16 : i32
      %mul3A_22 = arith.muli %scan3A_19, %mul3A_21 : i32
      %get3A_23 = arith.index_cast %mul3A_22 : i32 to index
      %get3A_24 = tpu.vector_load %arg6[%get3A_23] {strides = array<i32>} : memref<2048xi32, #tpu.memory_space<vmem>>, vector<16xi32>,
      %eq3A = arith.cmpi eq, %get3A_24, %get3A_3 : vector<16xi32>
      %mul3A_25 = arith.constant 16 : i32
      %mul3A_26 = arith.muli %scan3A_19, %mul3A_25 : i32
      %add3A_27 = arith.addi %mul3A_2, %mul3A_26 : i32
      %add3A_28 = vector.broadcast %add3A_27 : i32 to vector<16xi32>
      %add3A_29 = arith.addi %add3A_28, %iota3A : vector<16xi32>
      %add3A_30 = arith.constant 1 : i32
      %add3A_31 = vector.broadcast %add3A_30 : i32 to vector<16xi32>
      %add3A_32 = arith.addi %broadcast_in_dim3A_4, %add3A_31 : vector<16xi32>
      %select_n3A = arith.select %eq3A, %add3A_32, %broadcast_in_dim3A_4 : vector<16xi1>, vector<16xi32>
      %broadcast_in_dim3A_33 = arith.constant true
      %broadcast_in_dim3A_34 = vector.broadcast %broadcast_in_dim3A_33 : i1 to vector<16xi1>
      %masked_cumsum3A = tpu.scan <sum>, %select_n3A masked %broadcast_in_dim3A_34 : vector<16xi32>, vector<16xi1> -> vector<16xi32>
      %add3A_35 = arith.addi %scan3A_20, %masked_cumsum3A : vector<16xi32>
      %sub3A = arith.constant 1 : i32
      %sub3A_36 = vector.broadcast %sub3A : i32 to vector<16xi32>
      %sub3A_37 = arith.subi %add3A_35, %sub3A_36 : vector<16xi32>
      tpu.vector_store_idx %arg7[%sub3A_37], %add3A_29 masked %eq3A : memref<2048xi32, #tpu.memory_space<vmem>>[vector<16xi32>], vector<16xi32>, vector<16xi1>
      %add3A_38 = arith.constant 1 : i32
      %add3A_39 = vector.broadcast %add3A_38 : i32 to vector<16xi32>
      %add3A_40 = arith.addi %broadcast_in_dim3A_4, %add3A_39 : vector<16xi32>
      %select_n3A_41 = arith.select %eq3A, %add3A_40, %broadcast_in_dim3A_4 : vector<16xi1>, vector<16xi32>
      %reduce_sum3A = arith.constant true
      %reduce_sum3A_42 = vector.broadcast %reduce_sum3A : i1 to vector<16xi1>
      %reduce_sum3A_43 = tpu.scan <sum>, %select_n3A_41 masked %reduce_sum3A_42 : vector<16xi32>, vector<16xi1> -> vector<16xi32>
      %reduce_sum3A_44 = vector.extract %reduce_sum3A_43[15] : i32 from vector<16xi32>
      %add3A_45 = vector.broadcast %reduce_sum3A_44 : i32 to vector<16xi32>
      %add3A_46 = arith.addi %scan3A_20, %add3A_45 : vector<16xi32>
      scf.yield %add3A_46 : vector<16xi32>
    }
    %scan3A_17 = arith.constant 128 : i32
    %swap3A = arith.constant 0 : index
    %swap3A_18 = tpu.vector_load %arg9[%swap3A] {strides = array<i32>} : memref<16xi32, #tpu.memory_space<vmem>>, vector<16xi32>,
    tpu.vector_store %arg9[%swap3A], %scan3A_16 {strides = array<i32>} : memref<16xi32, #tpu.memory_space<vmem>>, vector<16xi32>,
    "tpu.region"() ({
      %run_scoped3A = tpu.sem_alloc : memref<!tpu.dma_semaphore, #tpu.memory_space<semaphore_mem>>
      %dma_start3A = arith.constant 0 : i32
      %dma_start3A_19 = tpu.memref_slice %arg5[%add3A, %dma_start3A] : memref<32x16xi32, #tpu.memory_space<hbm>> -> memref<1x16xi32, #tpu.memory_space<hbm>>
      %dma_start3A_20 = tpu.memref_squeeze %dma_start3A_19 : memref<1x16xi32, #tpu.memory_space<hbm>> -> memref<16xi32, #tpu.memory_space<hbm>>
      %dma_start3A_21 = arith.constant 0 : i32
      %dma_start3A_22 = tpu.memref_slice %arg5[%add3A, %dma_start3A_21] : memref<32x16xi32, #tpu.memory_space<hbm>> -> memref<1x16xi32, #tpu.memory_space<hbm>>
      %dma_start3A_23 = tpu.memref_squeeze %dma_start3A_22 : memref<1x16xi32, #tpu.memory_space<hbm>> -> memref<16xi32, #tpu.memory_space<hbm>>
      tpu.enqueue_dma source(%arg9 : memref<16xi32, #tpu.memory_space<vmem>>) target(%dma_start3A_23 : memref<16xi32, #tpu.memory_space<hbm>>) target_semaphore(%run_scoped3A : memref<!tpu.dma_semaphore, #tpu.memory_space<semaphore_mem>>)
      %dma_wait3A = arith.constant 0 : i32
      %dma_wait3A_24 = tpu.memref_slice %arg5[%add3A, %dma_wait3A] : memref<32x16xi32, #tpu.memory_space<hbm>> -> memref<1x16xi32, #tpu.memory_space<hbm>>
      %dma_wait3A_25 = tpu.memref_squeeze %dma_wait3A_24 : memref<1x16xi32, #tpu.memory_space<hbm>> -> memref<16xi32, #tpu.memory_space<hbm>>
      %dma_wait3A_26 = arith.constant 0 : i32
      %dma_wait3A_27 = tpu.memref_slice %arg5[%add3A, %dma_wait3A_26] : memref<32x16xi32, #tpu.memory_space<hbm>> -> memref<1x16xi32, #tpu.memory_space<hbm>>
      %dma_wait3A_28 = tpu.memref_squeeze %dma_wait3A_27 : memref<1x16xi32, #tpu.memory_space<hbm>> -> memref<16xi32, #tpu.memory_space<hbm>>
      tpu.wait_dma2 semaphore(%run_scoped3A : memref<!tpu.dma_semaphore, #tpu.memory_space<semaphore_mem>>) src(%arg9 : memref<16xi32, #tpu.memory_space<vmem>>) dst(%dma_wait3A_28 : memref<16xi32, #tpu.memory_space<hbm>>)
      tpu.yield
    }) : () -> ()
    "tpu.region"() ({
      %run_scoped3A = tpu.sem_alloc : memref<!tpu.dma_semaphore, #tpu.memory_space<semaphore_mem>>
      %dma_start3A = arith.constant 0 : i32
      %dma_start3A_19 = tpu.memref_slice %arg4[%add3A, %dma_start3A] : memref<32x2048xi32, #tpu.memory_space<hbm>> -> memref<1x2048xi32, #tpu.memory_space<hbm>>
      %dma_start3A_20 = tpu.memref_squeeze %dma_start3A_19 : memref<1x2048xi32, #tpu.memory_space<hbm>> -> memref<2048xi32, #tpu.memory_space<hbm>>
      %dma_start3A_21 = arith.constant 0 : i32
      %dma_start3A_22 = tpu.memref_slice %arg4[%add3A, %dma_start3A_21] : memref<32x2048xi32, #tpu.memory_space<hbm>> -> memref<1x2048xi32, #tpu.memory_space<hbm>>
      %dma_start3A_23 = tpu.memref_squeeze %dma_start3A_22 : memref<1x2048xi32, #tpu.memory_space<hbm>> -> memref<2048xi32, #tpu.memory_space<hbm>>
      tpu.enqueue_dma source(%arg7 : memref<2048xi32, #tpu.memory_space<vmem>>) target(%dma_start3A_23 : memref<2048xi32, #tpu.memory_space<hbm>>) target_semaphore(%run_scoped3A : memref<!tpu.dma_semaphore, #tpu.memory_space<semaphore_mem>>)
      %dma_wait3A = arith.constant 0 : i32
      %dma_wait3A_24 = tpu.memref_slice %arg4[%add3A, %dma_wait3A] : memref<32x2048xi32, #tpu.memory_space<hbm>> -> memref<1x2048xi32, #tpu.memory_space<hbm>>
      %dma_wait3A_25 = tpu.memref_squeeze %dma_wait3A_24 : memref<1x2048xi32, #tpu.memory_space<hbm>> -> memref<2048xi32, #tpu.memory_space<hbm>>
      %dma_wait3A_26 = arith.constant 0 : i32
      %dma_wait3A_27 = tpu.memref_slice %arg4[%add3A, %dma_wait3A_26] : memref<32x2048xi32, #tpu.memory_space<hbm>> -> memref<1x2048xi32, #tpu.memory_space<hbm>>
      %dma_wait3A_28 = tpu.memref_squeeze %dma_wait3A_27 : memref<1x2048xi32, #tpu.memory_space<hbm>> -> memref<2048xi32, #tpu.memory_space<hbm>>
      tpu.wait_dma2 semaphore(%run_scoped3A : memref<!tpu.dma_semaphore, #tpu.memory_space<semaphore_mem>>) src(%arg7 : memref<2048xi32, #tpu.memory_space<vmem>>) dst(%dma_wait3A_28 : memref<2048xi32, #tpu.memory_space<hbm>>)
      tpu.yield
    }) : () -> ()
    return
  }
}

module attributes {stable_mosaic.version = 14 : i64} {
  func.func @_mlp_body(%arg0: i32, %arg1: memref<2xi32, #tpu.memory_space<smem>>, %arg2: memref<512x1024xf32, #tpu.memory_space<vmem>>, %arg3: memref<1x1024xf32, #tpu.memory_space<vmem>>, %arg4: memref<1x1024xf32, #tpu.memory_space<vmem>>, %arg5: memref<1xf32, #tpu.memory_space<smem>>, %arg6: memref<65536x512xf32, #tpu.memory_space<any>>, %arg7: memref<65536xf32, #tpu.memory_space<vmem>>, %arg8: memref<4x1024x512xf32, #tpu.memory_space<vmem>>, %arg9: memref<4x!tpu.dma_semaphore, #tpu.memory_space<semaphore_mem>>) attributes {dimension_semantics = [#tpu.dimension_semantics<arbitrary>], iteration_bounds = array<i64: 64>, scalar_prefetch = 1 : i64, scratch_operands = 2 : i64, tpu.core_type = #tpu.core_type<tc>, window_params = [{pipeline_mode = #tpu.pipeline_mode<synchronous>, transform_indices = @transform_0, window_bounds = array<i64: 512, 1024>}, {pipeline_mode = #tpu.pipeline_mode<synchronous>, transform_indices = @transform_1, window_bounds = array<i64: 1, 1024>}, {pipeline_mode = #tpu.pipeline_mode<synchronous>, transform_indices = @transform_2, window_bounds = array<i64: 1, 1024>}, {transform_indices = @transform_3, window_bounds = array<i64: 1>}, {}, {pipeline_mode = #tpu.pipeline_mode<synchronous>, transform_indices = @transform_5, window_bounds = array<i64: 65536>}]} {
    %get3A = arith.constant 0 : index
    %get3A_0 = memref.load %arg1[%get3A] : memref<2xi32, #tpu.memory_space<smem>>
    %add3A = arith.constant 1024 : i32
    %add3A_1 = arith.addi %get3A_0, %add3A : i32
    %sub3A = arith.constant 1 : i32
    %sub3A_2 = arith.subi %add3A_1, %sub3A : i32
    %shift_right_arithmetic3A = arith.constant 10 : i32
    %shift_right_arithmetic3A_3 = arith.shrsi %sub3A_2, %shift_right_arithmetic3A : i32
    %get3A_4 = arith.constant 1 : index
    %get3A_5 = memref.load %arg1[%get3A_4] : memref<2xi32, #tpu.memory_space<smem>>
    %add3A_6 = arith.constant 1024 : i32
    %add3A_7 = arith.addi %get3A_5, %add3A_6 : i32
    %sub3A_8 = arith.constant 1 : i32
    %sub3A_9 = arith.subi %add3A_7, %sub3A_8 : i32
    %shift_right_arithmetic3A_10 = arith.constant 10 : i32
    %shift_right_arithmetic3A_11 = arith.shrsi %sub3A_9, %shift_right_arithmetic3A_10 : i32
    %add3A_12 = arith.addi %shift_right_arithmetic3A_3, %shift_right_arithmetic3A_11 : i32
    %eq3A = arith.constant 0 : i32
    %eq3A_13 = arith.cmpi eq, %arg0, %eq3A : i32
    %convert_element_type3A = arith.extui %eq3A_13 : i1 to i32
    %cond3A = arith.constant 0 : i32
    %cond3A_14 = arith.cmpi ne, %convert_element_type3A, %cond3A : i32
    scf.if %cond3A_14 {
      %gt3A = arith.constant 0 : i32
      %gt3A_18 = arith.cmpi sgt, %add3A_12, %gt3A : i32
      %convert_element_type3A_19 = arith.extui %gt3A_18 : i1 to i32
      %cond3A_20 = arith.constant 0 : i32
      %cond3A_21 = arith.cmpi ne, %convert_element_type3A_19, %cond3A_20 : i32
      scf.if %cond3A_21 {
        %gt3A_32 = arith.constant 0 : i32
        %gt3A_33 = arith.cmpi sgt, %shift_right_arithmetic3A_3, %gt3A_32 : i32
        %sub3A_34 = arith.constant 0 : i32
        %sub3A_35 = arith.subi %sub3A_34, %shift_right_arithmetic3A_3 : i32
        %shift_left3A = arith.constant 10 : i32
        %shift_left3A_36 = arith.shli %sub3A_35, %shift_left3A : i32
        %add3A_37 = arith.constant 32768 : i32
        %add3A_38 = arith.addi %add3A_37, %shift_left3A_36 : i32
        %jit3A = arith.constant 0 : i32
        %select_n3A = arith.select %gt3A_33, %jit3A, %add3A_38 : i32
        %multiple_of3A = tpu.assume_multiple %select_n3A, 1024 : i32
        %dma_start3A = arith.constant 0 : i32
        %dma_start3A_39 = arith.constant 0 : i32
        %dma_start3A_40 = tpu.memref_slice %arg9[%dma_start3A_39] : memref<4x!tpu.dma_semaphore, #tpu.memory_space<semaphore_mem>> -> memref<1x!tpu.dma_semaphore, #tpu.memory_space<semaphore_mem>>
        %dma_start3A_41 = tpu.memref_squeeze %dma_start3A_40 : memref<1x!tpu.dma_semaphore, #tpu.memory_space<semaphore_mem>> -> memref<!tpu.dma_semaphore, #tpu.memory_space<semaphore_mem>>
        %dma_start3A_42 = arith.constant 0 : i32
        %dma_start3A_43 = arith.constant 0 : i32
        %dma_start3A_44 = tpu.memref_slice %arg8[%dma_start3A, %dma_start3A_42, %dma_start3A_43] : memref<4x1024x512xf32, #tpu.memory_space<vmem>> -> memref<1x1024x512xf32, #tpu.memory_space<vmem>>
        %dma_start3A_45 = tpu.memref_squeeze %dma_start3A_44 : memref<1x1024x512xf32, #tpu.memory_space<vmem>> -> memref<1024x512xf32, #tpu.memory_space<vmem>>
        %dma_start3A_46 = arith.constant 0 : i32
        %dma_start3A_47 = tpu.memref_slice %arg6[%multiple_of3A, %dma_start3A_46] : memref<65536x512xf32, #tpu.memory_space<any>> -> memref<1024x512xf32, #tpu.memory_space<any>>
        tpu.enqueue_dma source(%dma_start3A_47 : memref<1024x512xf32, #tpu.memory_space<any>>) target(%dma_start3A_45 : memref<1024x512xf32, #tpu.memory_space<vmem>>) target_semaphore(%dma_start3A_41 : memref<!tpu.dma_semaphore, #tpu.memory_space<semaphore_mem>>)
      } else {
      }
      %gt3A_22 = arith.constant 1 : i32
      %gt3A_23 = arith.cmpi sgt, %add3A_12, %gt3A_22 : i32
      %convert_element_type3A_24 = arith.extui %gt3A_23 : i1 to i32
      %cond3A_25 = arith.constant 0 : i32
      %cond3A_26 = arith.cmpi ne, %convert_element_type3A_24, %cond3A_25 : i32
      scf.if %cond3A_26 {
        %gt3A_32 = arith.constant 1 : i32
        %gt3A_33 = arith.cmpi sgt, %shift_right_arithmetic3A_3, %gt3A_32 : i32
        %sub3A_34 = arith.constant 1 : i32
        %sub3A_35 = arith.subi %sub3A_34, %shift_right_arithmetic3A_3 : i32
        %shift_left3A = arith.constant 10 : i32
        %shift_left3A_36 = arith.shli %sub3A_35, %shift_left3A : i32
        %add3A_37 = arith.constant 32768 : i32
        %add3A_38 = arith.addi %add3A_37, %shift_left3A_36 : i32
        %jit3A = arith.constant 1024 : i32
        %select_n3A = arith.select %gt3A_33, %jit3A, %add3A_38 : i32
        %multiple_of3A = tpu.assume_multiple %select_n3A, 1024 : i32
        %dma_start3A = arith.constant 1 : i32
        %dma_start3A_39 = arith.constant 1 : i32
        %dma_start3A_40 = tpu.memref_slice %arg9[%dma_start3A_39] : memref<4x!tpu.dma_semaphore, #tpu.memory_space<semaphore_mem>> -> memref<1x!tpu.dma_semaphore, #tpu.memory_space<semaphore_mem>>
        %dma_start3A_41 = tpu.memref_squeeze %dma_start3A_40 : memref<1x!tpu.dma_semaphore, #tpu.memory_space<semaphore_mem>> -> memref<!tpu.dma_semaphore, #tpu.memory_space<semaphore_mem>>
        %dma_start3A_42 = arith.constant 0 : i32
        %dma_start3A_43 = arith.constant 0 : i32
        %dma_start3A_44 = tpu.memref_slice %arg8[%dma_start3A, %dma_start3A_42, %dma_start3A_43] : memref<4x1024x512xf32, #tpu.memory_space<vmem>> -> memref<1x1024x512xf32, #tpu.memory_space<vmem>>
        %dma_start3A_45 = tpu.memref_squeeze %dma_start3A_44 : memref<1x1024x512xf32, #tpu.memory_space<vmem>> -> memref<1024x512xf32, #tpu.memory_space<vmem>>
        %dma_start3A_46 = arith.constant 0 : i32
        %dma_start3A_47 = tpu.memref_slice %arg6[%multiple_of3A, %dma_start3A_46] : memref<65536x512xf32, #tpu.memory_space<any>> -> memref<1024x512xf32, #tpu.memory_space<any>>
        tpu.enqueue_dma source(%dma_start3A_47 : memref<1024x512xf32, #tpu.memory_space<any>>) target(%dma_start3A_45 : memref<1024x512xf32, #tpu.memory_space<vmem>>) target_semaphore(%dma_start3A_41 : memref<!tpu.dma_semaphore, #tpu.memory_space<semaphore_mem>>)
      } else {
      }
      %gt3A_27 = arith.constant 2 : i32
      %gt3A_28 = arith.cmpi sgt, %add3A_12, %gt3A_27 : i32
      %convert_element_type3A_29 = arith.extui %gt3A_28 : i1 to i32
      %cond3A_30 = arith.constant 0 : i32
      %cond3A_31 = arith.cmpi ne, %convert_element_type3A_29, %cond3A_30 : i32
      scf.if %cond3A_31 {
        %gt3A_32 = arith.constant 2 : i32
        %gt3A_33 = arith.cmpi sgt, %shift_right_arithmetic3A_3, %gt3A_32 : i32
        %sub3A_34 = arith.constant 2 : i32
        %sub3A_35 = arith.subi %sub3A_34, %shift_right_arithmetic3A_3 : i32
        %shift_left3A = arith.constant 10 : i32
        %shift_left3A_36 = arith.shli %sub3A_35, %shift_left3A : i32
        %add3A_37 = arith.constant 32768 : i32
        %add3A_38 = arith.addi %add3A_37, %shift_left3A_36 : i32
        %jit3A = arith.constant 2048 : i32
        %select_n3A = arith.select %gt3A_33, %jit3A, %add3A_38 : i32
        %multiple_of3A = tpu.assume_multiple %select_n3A, 1024 : i32
        %dma_start3A = arith.constant 2 : i32
        %dma_start3A_39 = arith.constant 2 : i32
        %dma_start3A_40 = tpu.memref_slice %arg9[%dma_start3A_39] : memref<4x!tpu.dma_semaphore, #tpu.memory_space<semaphore_mem>> -> memref<1x!tpu.dma_semaphore, #tpu.memory_space<semaphore_mem>>
        %dma_start3A_41 = tpu.memref_squeeze %dma_start3A_40 : memref<1x!tpu.dma_semaphore, #tpu.memory_space<semaphore_mem>> -> memref<!tpu.dma_semaphore, #tpu.memory_space<semaphore_mem>>
        %dma_start3A_42 = arith.constant 0 : i32
        %dma_start3A_43 = arith.constant 0 : i32
        %dma_start3A_44 = tpu.memref_slice %arg8[%dma_start3A, %dma_start3A_42, %dma_start3A_43] : memref<4x1024x512xf32, #tpu.memory_space<vmem>> -> memref<1x1024x512xf32, #tpu.memory_space<vmem>>
        %dma_start3A_45 = tpu.memref_squeeze %dma_start3A_44 : memref<1x1024x512xf32, #tpu.memory_space<vmem>> -> memref<1024x512xf32, #tpu.memory_space<vmem>>
        %dma_start3A_46 = arith.constant 0 : i32
        %dma_start3A_47 = tpu.memref_slice %arg6[%multiple_of3A, %dma_start3A_46] : memref<65536x512xf32, #tpu.memory_space<any>> -> memref<1024x512xf32, #tpu.memory_space<any>>
        tpu.enqueue_dma source(%dma_start3A_47 : memref<1024x512xf32, #tpu.memory_space<any>>) target(%dma_start3A_45 : memref<1024x512xf32, #tpu.memory_space<vmem>>) target_semaphore(%dma_start3A_41 : memref<!tpu.dma_semaphore, #tpu.memory_space<semaphore_mem>>)
      } else {
      }
    } else {
    }
    %lt3A = arith.cmpi slt, %arg0, %add3A_12 : i32
    %convert_element_type3A_15 = arith.extui %lt3A : i1 to i32
    %cond3A_16 = arith.constant 0 : i32
    %cond3A_17 = arith.cmpi ne, %convert_element_type3A_15, %cond3A_16 : i32
    scf.if %cond3A_17 {
      %add3A_18 = arith.constant 3 : i32
      %add3A_19 = arith.addi %arg0, %add3A_18 : i32
      %lt3A_20 = arith.cmpi slt, %add3A_19, %add3A_12 : i32
      %convert_element_type3A_21 = arith.extui %lt3A_20 : i1 to i32
      %cond3A_22 = arith.constant 0 : i32
      %cond3A_23 = arith.cmpi ne, %convert_element_type3A_21, %cond3A_22 : i32
      scf.if %cond3A_23 {
        %add3A_94 = arith.constant 3 : i32
        %add3A_95 = arith.addi %arg0, %add3A_94 : i32
        %add3A_96 = arith.constant 3 : i32
        %add3A_97 = arith.addi %arg0, %add3A_96 : i32
        %jit3A_98 = arith.constant 4 : i32
        %eq3A_99 = arith.constant 0 : i32
        %eq3A_100 = arith.cmpi eq, %jit3A_98, %eq3A_99 : i32
        %jit3A_101 = arith.constant 1 : i32
        %select_n3A_102 = arith.select %eq3A_100, %jit3A_101, %jit3A_98 : i32
        %rem3A_103 = arith.remsi %add3A_97, %select_n3A_102 : i32
        %ne3A_104 = arith.constant 0 : i32
        %ne3A_105 = arith.cmpi ne, %rem3A_103, %ne3A_104 : i32
        %lt3A_106 = arith.constant 0 : i32
        %lt3A_107 = arith.cmpi slt, %rem3A_103, %lt3A_106 : i32
        %lt3A_108 = arith.constant 0 : i32
        %lt3A_109 = arith.cmpi slt, %select_n3A_102, %lt3A_108 : i32
        %ne3A_110 = arith.xori %lt3A_107, %lt3A_109 : i1
        %and3A_111 = arith.andi %ne3A_110, %ne3A_105 : i1
        %add3A_112 = arith.addi %rem3A_103, %select_n3A_102 : i32
        %select_n3A_113 = arith.select %and3A_111, %add3A_112, %rem3A_103 : i32
        %lt3A_114 = arith.cmpi slt, %add3A_95, %shift_right_arithmetic3A_3 : i32
        %shift_left3A_115 = arith.constant 10 : i32
        %shift_left3A_116 = arith.shli %add3A_95, %shift_left3A_115 : i32
        %sub3A_117 = arith.subi %add3A_95, %shift_right_arithmetic3A_3 : i32
        %shift_left3A_118 = arith.constant 10 : i32
        %shift_left3A_119 = arith.shli %sub3A_117, %shift_left3A_118 : i32
        %add3A_120 = arith.constant 32768 : i32
        %add3A_121 = arith.addi %add3A_120, %shift_left3A_119 : i32
        %select_n3A_122 = arith.select %lt3A_114, %shift_left3A_116, %add3A_121 : i32
        %multiple_of3A_123 = tpu.assume_multiple %select_n3A_122, 1024 : i32
        %dma_start3A = tpu.memref_slice %arg9[%select_n3A_113] : memref<4x!tpu.dma_semaphore, #tpu.memory_space<semaphore_mem>> -> memref<1x!tpu.dma_semaphore, #tpu.memory_space<semaphore_mem>>
        %dma_start3A_124 = tpu.memref_squeeze %dma_start3A : memref<1x!tpu.dma_semaphore, #tpu.memory_space<semaphore_mem>> -> memref<!tpu.dma_semaphore, #tpu.memory_space<semaphore_mem>>
        %dma_start3A_125 = arith.constant 0 : i32
        %dma_start3A_126 = arith.constant 0 : i32
        %dma_start3A_127 = tpu.memref_slice %arg8[%select_n3A_113, %dma_start3A_125, %dma_start3A_126] : memref<4x1024x512xf32, #tpu.memory_space<vmem>> -> memref<1x1024x512xf32, #tpu.memory_space<vmem>>
        %dma_start3A_128 = tpu.memref_squeeze %dma_start3A_127 : memref<1x1024x512xf32, #tpu.memory_space<vmem>> -> memref<1024x512xf32, #tpu.memory_space<vmem>>
        %dma_start3A_129 = arith.constant 0 : i32
        %dma_start3A_130 = tpu.memref_slice %arg6[%multiple_of3A_123, %dma_start3A_129] : memref<65536x512xf32, #tpu.memory_space<any>> -> memref<1024x512xf32, #tpu.memory_space<any>>
        tpu.enqueue_dma source(%dma_start3A_130 : memref<1024x512xf32, #tpu.memory_space<any>>) target(%dma_start3A_128 : memref<1024x512xf32, #tpu.memory_space<vmem>>) target_semaphore(%dma_start3A_124 : memref<!tpu.dma_semaphore, #tpu.memory_space<semaphore_mem>>)
      } else {
      }
      %jit3A = arith.constant 4 : i32
      %eq3A_24 = arith.constant 0 : i32
      %eq3A_25 = arith.cmpi eq, %jit3A, %eq3A_24 : i32
      %jit3A_26 = arith.constant 1 : i32
      %select_n3A = arith.select %eq3A_25, %jit3A_26, %jit3A : i32
      %rem3A = arith.remsi %arg0, %select_n3A : i32
      %ne3A = arith.constant 0 : i32
      %ne3A_27 = arith.cmpi ne, %rem3A, %ne3A : i32
      %lt3A_28 = arith.constant 0 : i32
      %lt3A_29 = arith.cmpi slt, %rem3A, %lt3A_28 : i32
      %lt3A_30 = arith.constant 0 : i32
      %lt3A_31 = arith.cmpi slt, %select_n3A, %lt3A_30 : i32
      %ne3A_32 = arith.xori %lt3A_29, %lt3A_31 : i1
      %and3A = arith.andi %ne3A_32, %ne3A_27 : i1
      %add3A_33 = arith.addi %rem3A, %select_n3A : i32
      %select_n3A_34 = arith.select %and3A, %add3A_33, %rem3A : i32
      %lt3A_35 = arith.cmpi slt, %arg0, %shift_right_arithmetic3A_3 : i32
      %shift_left3A = arith.constant 10 : i32
      %shift_left3A_36 = arith.shli %arg0, %shift_left3A : i32
      %sub3A_37 = arith.subi %arg0, %shift_right_arithmetic3A_3 : i32
      %shift_left3A_38 = arith.constant 10 : i32
      %shift_left3A_39 = arith.shli %sub3A_37, %shift_left3A_38 : i32
      %add3A_40 = arith.constant 32768 : i32
      %add3A_41 = arith.addi %add3A_40, %shift_left3A_39 : i32
      %select_n3A_42 = arith.select %lt3A_35, %shift_left3A_36, %add3A_41 : i32
      %multiple_of3A = tpu.assume_multiple %select_n3A_42, 1024 : i32
      %dma_wait3A = tpu.memref_slice %arg9[%select_n3A_34] : memref<4x!tpu.dma_semaphore, #tpu.memory_space<semaphore_mem>> -> memref<1x!tpu.dma_semaphore, #tpu.memory_space<semaphore_mem>>
      %dma_wait3A_43 = tpu.memref_squeeze %dma_wait3A : memref<1x!tpu.dma_semaphore, #tpu.memory_space<semaphore_mem>> -> memref<!tpu.dma_semaphore, #tpu.memory_space<semaphore_mem>>
      %dma_wait3A_44 = arith.constant 0 : i32
      %dma_wait3A_45 = arith.constant 0 : i32
      %dma_wait3A_46 = tpu.memref_slice %arg8[%select_n3A_34, %dma_wait3A_44, %dma_wait3A_45] : memref<4x1024x512xf32, #tpu.memory_space<vmem>> -> memref<1x1024x512xf32, #tpu.memory_space<vmem>>
      %dma_wait3A_47 = tpu.memref_squeeze %dma_wait3A_46 : memref<1x1024x512xf32, #tpu.memory_space<vmem>> -> memref<1024x512xf32, #tpu.memory_space<vmem>>
      %dma_wait3A_48 = arith.constant 0 : i32
      %dma_wait3A_49 = tpu.memref_slice %arg6[%multiple_of3A, %dma_wait3A_48] : memref<65536x512xf32, #tpu.memory_space<any>> -> memref<1024x512xf32, #tpu.memory_space<any>>
      tpu.wait_dma2 semaphore(%dma_wait3A_43 : memref<!tpu.dma_semaphore, #tpu.memory_space<semaphore_mem>>) src(%dma_wait3A_49 : memref<1024x512xf32, #tpu.memory_space<any>>) dst(%dma_wait3A_47 : memref<1024x512xf32, #tpu.memory_space<vmem>>)
      %get3A_50 = arith.index_cast %select_n3A_34 : i32 to index
      %get3A_51 = arith.constant 0 : index
      %get3A_52 = arith.constant 0 : index
      %get3A_53 = vector.load %arg8[%get3A_50, %get3A_51, %get3A_52] : memref<4x1024x512xf32, #tpu.memory_space<vmem>>, vector<1x1024x512xf32>
      %get3A_54 = vector.shape_cast %get3A_53 : vector<1x1024x512xf32> to vector<1024x512xf32>
      %get3A_55 = arith.constant 0 : index
      %get3A_56 = arith.constant 0 : index
      %get3A_57 = vector.load %arg2[%get3A_55, %get3A_56] : memref<512x1024xf32, #tpu.memory_space<vmem>>, vector<512x1024xf32>
      %dot_general3A = arith.constant dense<0.000000e+00> : vector<1024x1024xf32>
      %dot_general3A_58 = tpu.matmul %get3A_54, %get3A_57, %dot_general3A {dimension_numbers = #tpu.dot_dimension_numbers<[1], [0], [0], [1], [0, 0, 1, 1], [], []>, transpose_lhs_hint = false} : vector<1024x512xf32>, vector<512x1024xf32>, vector<1024x1024xf32> -> vector<1024x1024xf32>
      %get3A_59 = arith.constant 0 : index
      %get3A_60 = arith.constant 0 : index
      %get3A_61 = vector.load %arg3[%get3A_59, %get3A_60] : memref<1x1024xf32, #tpu.memory_space<vmem>>, vector<1x1024xf32>
      %add3A_62 = vector.broadcast %get3A_61 : vector<1x1024xf32> to vector<1024x1024xf32>
      %add3A_63 = arith.addf %dot_general3A_58, %add3A_62 : vector<1024x1024xf32>
      %mul3A = arith.constant 5.000000e-01 : f32
      %mul3A_64 = vector.broadcast %mul3A : f32 to vector<1024x1024xf32>
      %mul3A_65 = arith.mulf %mul3A_64, %add3A_63 : vector<1024x1024xf32>
      %mul3A_66 = arith.constant 0.707106769 : f32
      %mul3A_67 = vector.broadcast %mul3A_66 : f32 to vector<1024x1024xf32>
      %mul3A_68 = arith.mulf %add3A_63, %mul3A_67 : vector<1024x1024xf32>
      %erf3A = math.erf %mul3A_68 : vector<1024x1024xf32>
      %add3A_69 = arith.constant 1.000000e+00 : f32
      %add3A_70 = vector.broadcast %add3A_69 : f32 to vector<1024x1024xf32>
      %add3A_71 = arith.addf %add3A_70, %erf3A : vector<1024x1024xf32>
      %mul3A_72 = arith.mulf %mul3A_65, %add3A_71 : vector<1024x1024xf32>
      %get3A_73 = arith.constant 0 : index
      %get3A_74 = arith.constant 0 : index
      %get3A_75 = vector.load %arg4[%get3A_73, %get3A_74] : memref<1x1024xf32, #tpu.memory_space<vmem>>, vector<1x1024xf32>
      %mul3A_76 = vector.broadcast %get3A_75 : vector<1x1024xf32> to vector<1024x1024xf32>
      %mul3A_77 = arith.mulf %mul3A_72, %mul3A_76 : vector<1024x1024xf32>
      %reduce_sum3A = arith.constant dense<0.000000e+00> : vector<1024xf32>
      %reduce_sum3A_78 = vector.multi_reduction <add>, %mul3A_77, %reduce_sum3A [1] : vector<1024x1024xf32> to vector<1024xf32>
      %get3A_79 = arith.constant 0 : index
      %get3A_80 = memref.load %arg5[%get3A_79] : memref<1xf32, #tpu.memory_space<smem>>
      %add3A_81 = vector.broadcast %get3A_80 : f32 to vector<1024xf32>
      %add3A_82 = arith.addf %reduce_sum3A_78, %add3A_81 : vector<1024xf32>
      %lt3A_83 = arith.cmpi slt, %arg0, %shift_right_arithmetic3A_3 : i32
      %shift_left3A_84 = arith.constant 10 : i32
      %shift_left3A_85 = arith.shli %arg0, %shift_left3A_84 : i32
      %sub3A_86 = arith.subi %arg0, %shift_right_arithmetic3A_3 : i32
      %shift_left3A_87 = arith.constant 10 : i32
      %shift_left3A_88 = arith.shli %sub3A_86, %shift_left3A_87 : i32
      %add3A_89 = arith.constant 32768 : i32
      %add3A_90 = arith.addi %add3A_89, %shift_left3A_88 : i32
      %select_n3A_91 = arith.select %lt3A_83, %shift_left3A_85, %add3A_90 : i32
      %multiple_of3A_92 = tpu.assume_multiple %select_n3A_91, 1024 : i32
      %swap3A = arith.index_cast %multiple_of3A_92 : i32 to index
      %swap3A_93 = vector.load %arg7[%swap3A] : memref<65536xf32, #tpu.memory_space<vmem>>, vector<1024xf32>
      tpu.vector_store %arg7[%swap3A], %add3A_82 {strides = array<i32>} : memref<65536xf32, #tpu.memory_space<vmem>>, vector<1024xf32>,
    } else {
    }
    return
  }
  func.func @transform_0(%arg0: i32, %arg1: memref<2xi32, #tpu.memory_space<smem>>) -> (i32, i32) {
    %c0_i32 = arith.constant 0 : i32
    %c0_i32_0 = arith.constant 0 : i32
    %c0_i32_1 = arith.constant 0 : i32
    return %c0_i32, %c0_i32_0 : i32, i32
  }
  func.func @transform_1(%arg0: i32, %arg1: memref<2xi32, #tpu.memory_space<smem>>) -> (i32, i32) {
    %c0_i32 = arith.constant 0 : i32
    %c0_i32_0 = arith.constant 0 : i32
    %c0_i32_1 = arith.constant 0 : i32
    return %c0_i32, %c0_i32_0 : i32, i32
  }
  func.func @transform_2(%arg0: i32, %arg1: memref<2xi32, #tpu.memory_space<smem>>) -> (i32, i32) {
    %c0_i32 = arith.constant 0 : i32
    %c0_i32_0 = arith.constant 0 : i32
    %c0_i32_1 = arith.constant 0 : i32
    return %c0_i32, %c0_i32_0 : i32, i32
  }
  func.func @transform_3(%arg0: i32, %arg1: memref<2xi32, #tpu.memory_space<smem>>) -> i32 {
    %c0_i32 = arith.constant 0 : i32
    %c0_i32_0 = arith.constant 0 : i32
    return %c0_i32 : i32
  }
  func.func @transform_5(%arg0: i32, %arg1: memref<2xi32, #tpu.memory_space<smem>>) -> i32 {
    %c0_i32 = arith.constant 0 : i32
    %c0_i32_0 = arith.constant 0 : i32
    return %c0_i32 : i32
  }
}

</mosaic_0001>

<sc_bundles>
// kernel: kernel.12.cloned.1.call-start
scs
__scs_entry_jumppad:
0x0: {  	(pc) =	sbr.rel $0x88, $3  }
0x1: {  	(tag) =	ssettag $0x0;
	lr =	simm.s32 $0x1  }
0x2: {  	[smem:$0x3F99] =	sst lr;
	_ =	strace $0xD0000000  }
0x3: {  	_ = 	snop  }
0x4: {  	_ = 	snop  }
0x5: {  	_ = 	snop  }
0x6: {  	_ = 	snop  }
0x7: {  	_ = 	snop  }
__scs_overlays_trampoline_lowered:
0x8: {  	[smem:$0x3FA8] =	sst s0  }
0x9: {  	[smem:$0x3FA9] =	sst s1  }
0xa: {  	[smem:$0x3FAA] =	sst s2  }
0xb: {  	[smem:$0x3FAB] =	sst s3  }
0xc: {  	[smem:$0x3FAC] =	sst s4  }
0xd: {  	[smem:$0x3FAD] =	sst s5  }
0xe: {  	[smem:$0x3FAE] =	sst s6  }
0xf: {  	[smem:$0x3FAF] =	sst s7  }
0x10: {  	[smem:$0x3FB0] =	sst s8  }
0x11: {  	[smem:$0x3FB1] =	sst s9;
	s0 =	simm.s32 @!p0 $0x0  }
0x12: {  	s1 =	sld [smem:$0x3F97];
	s0 =	simm.s32 @p0 $0x1  }
0x13: {  	[smem:$0x3FB2] =	sst s0;
	s0 =	simm.s32 @!p1 $0x0  }
0x14: {  	s2 =	sld [smem:$0x3F96];
	s0 =	simm.s32 @p1 $0x1  }
0x15: {  	[smem:$0x3FB3] =	sst s0;
	s0 =	simm.s32 @!p2 $0x0  }
0x16: {  	s3 =	sld [smem:$0x3FDB];
	s0 =	simm.s32 @p2 $0x1  }
0x17: {  	s4 =	simm.s32 $0x1BF5;
	[smem:$0x3FB5] =	sst s0  }
0x18: {  	s0 =	sld [smem:$0x3F98];
	_ =	swait.ge [sflag:s4], $0x0  }
0x19: {  	s7 =	sld [smem:$0x3F99]  }
0x1a: {  	s8 =	sadd.s32 $0xFFFFE003, lr  }
0x1b: {  	s9 =	sadd.s32 $0xFFFFFEF7, lr;
	s5 =	simm.s32 $0xFFFFFFFF;
	p2 =	slt.u32 s8, $0xFFFFF086  }
0x1c: {  	p1 =	slt.u32 s9, $0xF7A;
	s5 =	simm.s32 @!p2 $0x0  }
0x1d: {  	s5 =	simm.s32 @p1 $0x1;
	p0 =	seq.s32 s7, s2  }
0x1e: {  	s7 =	smul.u32 @!p0 $0xF7A, s2;
	p2 =	seq.s32 @!p0 s5, $0x0  }
0x1f: {  	s9 =	smul.u32 $0xF7A, s1;
	s8 =	simm.s32 @!p0 $0x1BF5;
	p2 =	por !p2, p0  }
0x20: {  	[sflag:s8] =	ssyncset.s32 @!p0 $0xFFFFF086;
	s6 =	sadd.s32 @!p0 s3, s7;
	s7 =	simm.s32 @!p0 $0x108  }
0x21: {  	s3 =	sadd.s32 s3, s9;
	s6 =	sadd.s32 @!p0 $0x88, s6;
	s7 =	simm.s32 @p2 $0x1082  }
0x22: {  	[simem:s7], [sflag:s8] =	dma.local @!p0 [hbm:s6], $0xF7A  }
0x23: {  	s9 =	sor.u32 $0xD0000000, s2;
	s6 =	simm.s32 $0x108;
	_ =	swait.ge @!p0 [sflag:s8], $0x0  }
0x24: {  	s3 =	sadd.s32 $0x88, s3;
	s6 =	simm.s32 @!p1 $0x1082;
	[sflag:s4] =	ssyncset.s32 $0xFFFFF086  }
0x25: {  	[simem:s6], [sflag:s4] =	dma.local [hbm:s3], $0xF7A  }
0x26: {  	[smem:$0x3F99] =	sst s1;
	(tag) =	ssettag s2;
	_ =	strace s9  }
0x27: {  	s1 =	sld [smem:$0x3FA9]  }
0x28: {  	s2 =	sld [smem:$0x3FAA]  }
0x29: {  	s4 =	sld [smem:$0x3FAC]  }
0x2a: {  	p0 =	seq.s32 s5, $0x0;
	s5 =	sld [smem:$0x3FAD]  }
0x2b: {  	s6 =	sld [smem:$0x3FAE]  }
0x2c: {  	s7 =	sld [smem:$0x3FAF]  }
0x2d: {  	s3 =	simm.s32 $0x108;
	s8 =	sld [smem:$0x3FB0]  }
0x2e: {  	s3 =	simm.s32 @!p0 $0x1082;
	s9 =	sld [smem:$0x3FB1]  }
0x2f: {  	lr =	sadd.s32 s0, s3;
	s0 =	sld [smem:$0x3FA8]  }
0x30: {  	s3 =	sld [smem:$0x3FAB]  }
0x31: {  	[smem:$0x3FB4] =	sst s10  }
0x32: {  	s10 =	sld [smem:$0x3FB2];
	_ =	sdelay $0x3  }
0x33: {  	p0 =	seq.s32 s10, $0x1;
	s10 =	sld [smem:$0x3FB4];
	_ =	sdelay $0x3  }
0x34: {  	[smem:$0x3FB4] =	sst s10  }
0x35: {  	s10 =	sld [smem:$0x3FB3];
	_ =	sdelay $0x3  }
0x36: {  	p1 =	seq.s32 s10, $0x1;
	s10 =	sld [smem:$0x3FB4];
	_ =	sdelay $0x3  }
0x37: {  	[smem:$0x3FB4] =	sst s10  }
0x38: {  	s10 =	sld [smem:$0x3FB5]  }
0x39: {  	_ = 	snop;
	(pc) =	sbr.ind lr, $3  }
0x3a: {  	_ = 	snop  }
0x3b: {  	_ = 	snop  }
0x3c: {  	p2 =	seq.s32 s10, $0x1;
	s10 =	sld [smem:$0x3FB4]  }
0x3d: {  	_ =	shalt  }
0x3e: {  	_ =	shalt  }
0x3f: {  	_ =	shalt  }
0x40: {  	_ =	shalt  }
0x41: {  	_ =	shalt  }
0x42: {  	_ =	shalt  }
0x43: {  	_ =	shalt  }
0x44: {  	_ =	shalt  }
0x45: {  	_ =	shalt  }
0x46: {  	_ =	shalt  }
0x47: {  	_ =	shalt  }
0x48: {  	_ =	shalt  }
0x49: {  	_ =	shalt  }
0x4a: {  	_ =	shalt  }
0x4b: {  	_ =	shalt  }
0x4c: {  	_ =	shalt  }
0x4d: {  	_ =	shalt  }
0x4e: {  	_ =	shalt  }
0x4f: {  	_ =	shalt  }
0x50: {  	_ =	shalt  }
0x51: {  	_ =	shalt  }
0x52: {  	_ =	shalt  }
0x53: {  	_ =	shalt  }
0x54: {  	_ =	shalt  }
0x55: {  	_ =	shalt  }
0x56: {  	_ =	shalt  }
0x57: {  	_ =	shalt  }
0x58: {  	_ =	shalt  }
0x59: {  	_ =	shalt  }
0x5a: {  	_ =	shalt  }
0x5b: {  	_ =	shalt  }
0x5c: {  	_ =	shalt  }
0x5d: {  	_ =	shalt  }
0x5e: {  	_ =	shalt  }
0x5f: {  	_ =	shalt  }
0x60: {  	_ =	shalt  }
0x61: {  	_ =	shalt  }
0x62: {  	_ =	shalt  }
0x63: {  	_ =	shalt  }
0x64: {  	_ =	shalt  }
0x65: {  	_ =	shalt  }
0x66: {  	_ =	shalt  }
0x67: {  	_ =	shalt  }
0x68: {  	_ =	shalt  }
0x69: {  	_ =	shalt  }
0x6a: {  	_ =	shalt  }
0x6b: {  	_ =	shalt  }
0x6c: {  	_ =	shalt  }
0x6d: {  	_ =	shalt  }
0x6e: {  	_ =	shalt  }
0x6f: {  	_ =	shalt  }
0x70: {  	_ =	shalt  }
0x71: {  	_ =	shalt  }
0x72: {  	_ =	shalt  }
0x73: {  	_ =	shalt  }
0x74: {  	_ =	shalt  }
0x75: {  	_ =	shalt  }
0x76: {  	_ =	shalt  }
0x77: {  	_ =	shalt  }
0x78: {  	_ =	shalt  }
0x79: {  	_ =	shalt  }
0x7a: {  	_ =	shalt  }
0x7b: {  	_ =	shalt  }
0x7c: {  	_ =	shalt  }
0x7d: {  	_ =	shalt  }
0x7e: {  	_ =	shalt  }
0x7f: {  	_ =	shalt  }
0x80: {  	_ =	shalt  }
0x81: {  	_ =	shalt  }
0x82: {  	_ =	shalt  }
0x83: {  	_ =	shalt  }
0x84: {  	_ =	shalt  }
0x85: {  	_ =	shalt  }
0x86: {  	_ =	shalt  }
0x87: {  	_ =	shalt  }
.Lfunc_end0:
.L_simem_size_0:
called_computation.2_lowered:
.L_overlay_start_0:
0x88: {  	s2 =	sld [smem:$0x3FD9]  }
0x89: {  	s3 =	sld [smem:$0x3FFE];
	_ =	sdelay $0x1  }
0x8a: {  	s1 =	srdreg.scid  }
0x8b: {  	s0 =	sand.u32 $0x1, s1  }
0x8c: {  	s17 =	sshll.u32 s0, $0xA;
	s2 =	sadd.s32 s3, s2  }
0x8d: {  	s2 =	sadd.s32 s2, s17  }
0x8e: {  	[smem:$0x3FC0] =	sst s2  }
0x8f: {  	_ = 	snop  }
0x90: {  	s2 =	sld [smem:$0x3FC7]  }
0x91: {  	s18 =	sld [smem:$0x3FD0];
	(tm) =	ssettm $0x1  }
0x92: {  	s4 =	sld [smem:$0x3FFB];
	_ =	sdelay $0x3  }
0x93: {  	_ =	strace s4  }
0x94: {  	s4 =	sld [smem:$0x3FFC];
	_ =	sdelay $0x3  }
0x95: {  	_ =	strace s4  }
0x96: {  	s4 =	sld [smem:$0x3FFD];
	_ =	sdelay $0x3  }
0x97: {  	_ =	strace s4  }
0x98: {  	_ =	strace $0x8FFFFFFF  }
0x99: {  	s19 =	sld [smem:$0x3FDB];
	_ =	sdelay $0x1  }
0x9a: {  	s5 =	simm.s32 $_scs_section_size  }
0x9b: {  	s6 =	simm.s32 $_size__tile_overlayer_lowered;
	s7 =	simm.s32 $_tile_overlayer_lowered  }
0x9c: {  	s22 =	simm.s32 $0x1BFF;
	s21 =	sshll.u32 s7, $0x1;
	s4 =	sadd.s32 s5, s19  }
0x9d: {  	s8 =	simm.s32 $0x0;
	s20 =	sshll.u32 s6, $0x1;
	s6 =	sadd.s32 s21, s4  }
0x9e: {  	[timem:s8], [sflag:s22] =	dma.local [hbm:s6], s20  }
0x9f: {  	_ =	swait.ge [sflag:s22], s20  }
0xa0: {  	s5 =	ssub.s32 $0x0, s20;
	[sflag:s22] =	ssyncset.done $0x0  }
0xa1: {  	[sflag:s22] =	ssyncadd.s32 s5;
	_ =	sdelay $0x1  }
0xa2: {  	s23 =	simm.s32 $0x1B8B  }
0xa3: {  	_ =	swait.ge [sflag:s23], $0x1  }
0xa4: {  	[sflag:s23] =	ssyncset.done $0x0  }
0xa5: {  	s25 =	simm.s32 $0x1B8E;
	s24 =	sld [smem:$0x3FFE];
	[sflag:s23] =	ssyncadd.s32 $0xFFFFFFFF  }
0xa6: {  	s26 =	simm.s32 $execute0_lowered;
	[smem:$0x3FD2] =	sst s25  }
0xa7: {  	s6 =	sshll.u32 s26, $0x1;
	_ =	strace $0x8000004C;
	[dreg:$0x1] =	wrdreg $0xFFFFFFFF  }
0xa8: {  	s28 =	simm.s32 $_size_execute0_lowered;
	s4 =	sadd.s32 s4, s6;
	[dreg:$0x0] =	wrdreg $0x0  }
0xa9: {  	s6 =	sshll.u32 s28, $0x1;
	[dreg:$0x2] =	wrdreg s4  }
0xaa: {  	[dreg:$0x3] =	wrdreg s6  }
0xab: {  	[dreg:$0x4] =	wrdreg $0xC0  }
0xac: {  	_ =	task [dreg:s8], $0x5FFFF  }
0xad: {  	[dreg:$0x1] =	wrdreg $0xFFFFFFFF  }
0xae: {  	[dreg:$0x0] =	wrdreg $0x60  }
0xaf: {  	[dreg:$0x2] =	wrdreg s24  }
0xb0: {  	[dreg:$0x3] =	wrdreg s2  }
0xb1: {  	[dreg:$0x4] =	wrdreg s18  }
0xb2: {  	[dreg:$0x5] =	wrdreg $0x9  }
0xb3: {  	_ =	task.clear_ibuf [dreg:s8], $0x6FFFF;
	_ =	strace $0x9000004C  }
0xb4: {  	s29 =	simm.s32 $0x9;
	_ =	strace $0x8000004E  }
0xb5: {  	_ =	swait.ge [sflag:s29], $0x1  }
0xb6: {  	[sflag:s29] =	ssyncadd.s32 $0xFFFFFFFF  }
0xb7: {  	_ =	strace $0x9000004E  }
0xb8: {  	_ =	sfence  }
0xb9: {  	s30 =	sld [smem:$0x0];
	_ =	sdelay $0x2  }
0xba: {  	s31 =	sshll.u32 s1, $0xD;
	s1 =	sshrl.u32 s1, $0x2  }
0xbb: {  	s3 =	sand.u32 $0x4000, s31;
	s1 =	sadd.s32 s1, s30  }
0xbc: {  	s0 =	sor.u32 s3, s0;
	s1 =	sshll.u32 s1, $0x11  }
0xbd: {  	s0 =	sor.u32 s1, s0  }
0xbe: {  	s0 =	sadd.s32 $0x8F2B, s0  }
0xbf: {  	[sflag:s0] =	ssyncadd.remote.s32 $0x1  }
0xc0: {  	_ =	sfence.sel $0xFFFF  }
0xc1: {  	[dreg:$0x0] =	wrdreg $0xFFFFFFFF;
	(pc) =	sbr.abs _section_cstart, $3  }
0xc2: {  	[dreg:$0x1] =	wrdreg $0xFFFFFFFF  }
0xc3: {  	_ =	task.clear_ibuf [dreg:s8], $0x2FFFF;
	_ =	strace $0x9FFFFFFF  }
0xc4: {  	(tm) =	ssettm $0x7FFFFFFF  }
0xc5: {  	_ =	shalt  }
tec
execute0_lowered:
.L_overlay_start_1:
0x0: {  	(tag) =	ssettag $0x1  }
0x1: {  	s3 =	rddreg [dreg:$0x0]  }
0x2: {  	s1 =	srdreg.scid;
	s6 =	rddreg [dreg:$0x1]  }
0x3: {  	s0 =	stileid.u32;
	s9 =	rddreg [dreg:$0x2];
	s2 =	simm.s32 $0x0  }
0x4: {  	s12 =	simm.s32 $0x1;
	s13 =	simm.s32 $0x1880;
	s14 =	simm.s32 $0x1000  }
0x5: {  	s15 =	simm.s32 $0x80;
	s17 =	simm.s32 $0x800;
	s18 =	simm.s32 $0x0  }
0x6: {  	s8 =	sand.u32 $0x1, s1;
	s28 =	sshll.u32 s0, $0x1;
	s1 =	rddreg [dreg:$0x3]  }
0x7: {  	s5 =	sshrl.u32 s0, $0x2;
	[smem:$0x7FF] =	sst s2;
	s4 =	sor.u32 s8, s28  }
0x8: {  	s10 =	sshll.u32 s5, $0xE;
	s5 =	sshll.u32 s5, $0xA;
	_ =	strace $0x8000004D  }
0x9: {  	s30 =	ssub.s32 $0x2, s8;
	s8 =	sshll.u32 s8, $0xF;
	s7 =	sshll.u32 s4, $0x7  }
0xa: {  	s11 =	sshrl.u32 s30, $0x1;
	s16 =	sshll.u32 s4, $0xB;
	s31 =	sshll.u32 s4, $0x8  }
0xb: {  	s7 =	sand.u32 $0x380, s7;
	s6 =	sadd.s32 s6, s31;
	s9 =	sadd.s32 s9, s31  }
.Ltmp0:
0xc: {  	s10 =	sor.u32 s10, s7;
	s5 =	sor.u32 s5, s7;
	(pc) =	sbr.rel .LBB2_1-.Ltmp0, $4  }
0xd: {  	v0 =	vmov s16;
	s16 =	simm.s32 $0x400;
	s10 =	sshrl.u32 s10, $0x3;
	s5 =	sshrl.u32 s5, $0x3  }
0xe: {  	s29 =	sadd.s32 s10, s3;
	s5 =	sadd.s32 s5, s3;
	s3 =	sadd.s32 $0x2A00, s3  }
0xf: {  	s10 =	ssub.s32 s30, s11;
	s11 =	simm.s32 $0x1800;
	s4 =	sadd.s32 $0x2600, s5  }
0x10: {  	v1 =	vlaneseq.u32;
	s5 =	sadd.s32 $0x2800, s5;
	s7 =	sadd.s32 $0x600, s29;
	s10 =	smax.u32 s10, $0x1  }
.LBB2_3:
0x11: {  	s22 =	simm.s32 $0x0;
	s21 =	simm.s32 $0x800  }
.LBB2_7:
0x12: {  	s22 =	sadd.s32 @p0 $0x10, s22  }
0x13: {  	s20 =	smov.u32 @p0 s22  }
0x14: {  	v4 =	vsub.s32 v3, v0;
	v5 =	vor.u32 s20, v1;
	s20 =	sadd.s32 @p0 $0x10, s21  }
0x15: {  	v3 =	vand.u32 $0x7F, v3;
	vm0 =	vlt.s32 v5, v2;
	v2 =	vand.u32 $0xFFFFFF80, v4;
	s19 =	smov.u32 @p0 s20  }
0x16: {  	v63 =	vld [tilespmem:s19+$0x0];
	v2 =	vor.u32 v3, v2;
	_ =	sdelay $0x4  }
0x17: {  	[tilespmem:v2+s14+$0x0] =	vst.idx.msk vm0, v63  }
.LBB2_8:
0x18: {  	s18 =	sadd.s32 $0x1, s18  }
0x19: {  	p0 =	sne.s32 s18, s10  }
.Ltmp1:
0x1a: {  	_ = 	snop;
	(pc) =	sbr.rel @!p0 .LBB2_9-.Ltmp1, $4  }
0x1b: {  	[hbm4b:s9+s2] =	stream.linear.scatter [tilespmem:s14], [sflag:$0x1], $0x800, $0x38;
	[tilespmem:$0x1900] =	vst v63  }
0x1c: {  	_ =	swait.ge [sflag:s12], $0x800  }
0x1d: {  	[sflag:s12] =	ssyncset.done $0x0  }
0x1e: {  	[sflag:s12] =	ssyncadd.s32 $0xFFFFF800  }
.LBB2_1:
0x1f: {  	[tilespmem:s11], [sflag:$0x1] =	stream.linear.gather [hbm4b:s4+s2], $0x80, $0x38;
	[tilespmem:$0x1900] =	vst v63  }
0x20: {  	_ =	swait.ge [sflag:s12], $0x80  }
0x21: {  	[sflag:s12] =	ssyncset.done $0x0  }
0x22: {  	[sflag:s12] =	ssyncadd.s32 $0xFFFFFF80  }
0x23: {  	[tilespmem:s13], [sflag:$0x1] =	stream.linear.gather [hbm4b:s5+s2], $0x80, $0x38;
	[tilespmem:$0x1900] =	vst v63  }
0x24: {  	_ =	swait.ge [sflag:s12], $0x80  }
0x25: {  	[sflag:s12] =	ssyncset.done $0x0  }
0x26: {  	[sflag:s12] =	ssyncadd.s32 $0xFFFFFF80  }
0x27: {  	[tilespmem:s14], [sflag:$0x1] =	stream.linear.gather [hbm4b:s6+s2], $0x800, $0x38;
	[tilespmem:$0x1900] =	vst v63  }
0x28: {  	_ =	swait.ge [sflag:s12], $0x800  }
0x29: {  	[sflag:s12] =	ssyncset.done $0x0  }
0x2a: {  	[sflag:s12] =	ssyncadd.s32 $0xFFFFF800  }
0x2b: {  	[tilespmem:s2], [sflag:$0x1] =	stream.strided.gather [hbm4b:s7+s15], $0x800, s16, s15, $0x38;
	[tilespmem:$0x1900] =	vst v63  }
0x2c: {  	_ =	swait.ge [sflag:s12], $0x800  }
0x2d: {  	[sflag:s12] =	ssyncset.done $0x0  }
0x2e: {  	[sflag:s12] =	ssyncadd.s32 $0xFFFFF800  }
0x2f: {  	v2 =	vld [tilespmem:$0x1800]  }
0x30: {  	v3 =	vld [tilespmem:$0x1880];
	_ =	sdelay $0x3  }
0x31: {  	v2 =	vxor.u32 $0x80000000, v2  }
0x32: {  	(xrf0) =	vmax.scan.msk.u32 $0xffff, v2;
	v2 =	vxor.u32 $0x80000000, v3  }
0x33: {  	(xrf0) =	vmax.scan.msk.u32 $0xffff, v2;
	_ =	sdelay $0x4  }
0x34: {  	v2, _, _ =	vpop (xrf0)  }
0x35: {  	(v2sf) =	vpush v2, $0xF;
	v2, _, _ =	vpop (xrf0)  }
0x36: {  	(v2sf) =	vpush v2, $0xF;
	_ =	sdelay $0xd  }
0x37: {  	s19 =	spop (v2sf)  }
0x38: {  	s20 =	spop (v2sf)  }
0x39: {  	s31 =	sadd.s32 $0x8000000F, s19;
	s20 =	sadd.s32 s20, s8  }
0x3a: {  	s21 =	sshra.s32 s31, $0x4;
	s20 =	sadd.s32 $0x80000000, s20  }
0x3b: {  	p0 =	slt.s32 s21, $0x1;
	s20 =	sshrl.u32 s20, $0x3  }
.Ltmp2:
0x3c: {  	s20 =	sadd.s32 s3, s20;
	(pc) =	sbr.rel @p0 .LBB2_8-.Ltmp2, $4  }
0x3d: {  	[tilespmem:s17], [sflag:$0x1] =	stream.linear.gather [hbm4b:s20+s2], $0x800, $0x38;
	[tilespmem:$0x1900] =	vst v63  }
0x3e: {  	_ =	swait.ge [sflag:s12], $0x800  }
0x3f: {  	[sflag:s12] =	ssyncset.done $0x0  }
0x40: {  	[sflag:s12] =	ssyncadd.s32 $0xFFFFF800  }
0x41: {  	p1 =	sne.s32 s21, $0x1  }
.Ltmp3:
0x42: {  	_ = 	snop;
	(pc) =	sbr.rel @!p1 .LBB2_3-.Ltmp3, $4  }
0x43: {  	s20 =	simm.s32 $0x0  }
0x44: {  	v3 =	vld [tilespmem:s20+$0x0]  }
0x45: {  	s19 =	sxor.u32 $0x80000000, s19  }
0x46: {  	s21 =	sadd.s32 $0xFFFFFFFF, s21;
	p0 =	por $0x0, $0x0;
	v2 =	vmov s19;
	s19 =	simm.s32 $0x800  }
0x47: {  	_ =	sdelay $0x1  }
0x48: {  	v5 =	vor.u32 s20, v1;
	v4 =	vsub.s32 v3, v0  }
0x49: {  	vm0 =	vlt.s32 v5, v2;
	v3 =	vand.u32 $0x7F, v3;
	v4 =	vand.u32 $0xFFFFFF80, v4  }
0x4a: {  	v5 =	vld [tilespmem:s19+$0x0];
	v3 =	vor.u32 v3, v4;
	_ =	sdelay $0x2  }
0x4b: {  	p1 =	sne.s32 s21, $0x1  }
.Ltmp4:
0x4c: {  	_ = 	snop;
	(pc) =	sbr.rel @!p1 .LBB2_5-.Ltmp4, $4  }
0x4d: {  	s23 =	simm.s32 $0x10;
	[tilespmem:v3+s14+$0x0] =	vst.idx.msk vm0, v5  }
0x4e: {  	v3 =	vld [tilespmem:s23+$0x0]  }
0x4f: {  	s24 =	sadd.s32 $0xFFFFFFFF, s21  }
0x50: {  	p0 =	por $0x1, $0x1;
	s22 =	simm.s32 $0x0;
	s21 =	simm.s32 $0x800  }
.LBB2_6:
0x51: {  	p1 =	sne.s32 s24, $0x1;
	_ =	sdelay $0x2  }
0x52: {  	s22 =	sadd.s32 $0x10, s22  }
0x53: {  	v4 =	vsub.s32 v3, v0;
	v5 =	vor.u32 s22, v1  }
0x54: {  	v3 =	vand.u32 $0x7F, v3;
	s21 =	sadd.s32 $0x10, s21;
	v4 =	vand.u32 $0xFFFFFF80, v4;
	vm0 =	vlt.s32 v5, v2  }
0x55: {  	v3 =	vor.u32 v3, v4;
	v5 =	vld [tilespmem:s21+$0x0];
	_ =	sdelay $0x1  }
.Ltmp5:
0x56: {  	(pc) =	sbr.rel @p1 .LBB2_6-.Ltmp5, $3  }
0x57: {  	_ =	sdelay $0x1  }
0x58: {  	s23 =	sadd.s32 $0x10, s23;
	[tilespmem:v3+s14+$0x0] =	vst.idx.msk vm0, v5  }
0x59: {  	s24 =	sadd.s32 $0xFFFFFFFF, s24;
	v3 =	vld [tilespmem:s23+$0x0]  }
.Ltmp6:
0x5a: {  	_ = 	snop;
	(pc) =	sbr.rel .LBB2_7-.Ltmp6, $1  }
0x5b: {  	_ =	sdelay $0x3  }
.LBB2_5:
.Ltmp7:
0x5c: {  	(pc) =	sbr.rel .LBB2_7-.Ltmp7, $2  }
0x5d: {  	_ =	sdelay $0x2  }
0x5e: {  	s22 =	simm.s32 $0x0;
	s21 =	simm.s32 $0x800  }
.LBB2_9:
0x5f: {  	_ =	sfence.sel $0x180000  }
0x60: {  	[bflag:$0x0] =	sbarrier.arrive $0xFFFF  }
0x61: {  	p0 =	sne.s32 s0, $0x0;
	_ =	strace $0x9000004D  }
0x62: {  	s0 =	sadd.s32 @!p0 $0x100000, s1;
	[bflag:$0x2] =	sbarrier.arrive $0xFFFF  }
0x63: {  	[sflag:s0] =	ssyncadd.tile.s32 @!p0 $0x1;
	_ =	shalt  }
.Lfunc_end2:
_tile_overlayer_lowered:
.L_overlay_start_2:
0x64: {  	(tag) =	ssettag $0x2  }
0x65: {  	s0 =	rddreg [dreg:$0x0];
	s2 =	stileid.u32  }
0x66: {  	s1 =	rddreg [dreg:$0x1];
	p0 =	sne.s32 s2, $0x0  }
0x67: {  	s3 =	rddreg [dreg:$0x2];
	[bflag:$0x3] =	sbarrier.arrive $0xFFFF;
	s2 =	simm.s32 @!p0 $0x1C01  }
0x68: {  	[timem:s3], [sflag:s2] =	dma.local @!p0 [hbm:s0], s1  }
0x69: {  	s0 =	simm.s32 @!p0 $0x1  }
0x6a: {  	_ =	swait.ge @!p0 [sflag:s0], s1  }
0x6b: {  	s1 =	ssub.s32 @!p0 $0x0, s1;
	[sflag:s0] =	ssyncset.done @!p0 $0x0  }
0x6c: {  	[sflag:s0] =	ssyncadd.s32 @!p0 s1  }
0x6d: {  	[bflag:$0x3] =	sbarrier.arrive $0xFFFF  }
0x6e: {  	_ =	shalt  }

// kernel: kernel.6.cloned.1.call-start
scs
__scs_entry_jumppad:
0x0: {  	(pc) =	sbr.rel $0x88, $3  }
0x1: {  	(tag) =	ssettag $0x0;
	lr =	simm.s32 $0x1  }
0x2: {  	[smem:$0x3F99] =	sst lr;
	_ =	strace $0xD0000000  }
0x3: {  	_ = 	snop  }
0x4: {  	_ = 	snop  }
0x5: {  	_ = 	snop  }
0x6: {  	_ = 	snop  }
0x7: {  	_ = 	snop  }
__scs_overlays_trampoline_lowered:
0x8: {  	[smem:$0x3FA8] =	sst s0  }
0x9: {  	[smem:$0x3FA9] =	sst s1  }
0xa: {  	[smem:$0x3FAA] =	sst s2  }
0xb: {  	[smem:$0x3FAB] =	sst s3  }
0xc: {  	[smem:$0x3FAC] =	sst s4  }
0xd: {  	[smem:$0x3FAD] =	sst s5  }
0xe: {  	[smem:$0x3FAE] =	sst s6  }
0xf: {  	[smem:$0x3FAF] =	sst s7  }
0x10: {  	[smem:$0x3FB0] =	sst s8  }
0x11: {  	[smem:$0x3FB1] =	sst s9;
	s0 =	simm.s32 @!p0 $0x0  }
0x12: {  	s1 =	sld [smem:$0x3F97];
	s0 =	simm.s32 @p0 $0x1  }
0x13: {  	[smem:$0x3FB2] =	sst s0;
	s0 =	simm.s32 @!p1 $0x0  }
0x14: {  	s2 =	sld [smem:$0x3F96];
	s0 =	simm.s32 @p1 $0x1  }
0x15: {  	[smem:$0x3FB3] =	sst s0;
	s0 =	simm.s32 @!p2 $0x0  }
0x16: {  	s3 =	sld [smem:$0x3FDB];
	s0 =	simm.s32 @p2 $0x1  }
0x17: {  	s4 =	simm.s32 $0x1BF5;
	[smem:$0x3FB5] =	sst s0  }
0x18: {  	s0 =	sld [smem:$0x3F98];
	_ =	swait.ge [sflag:s4], $0x0  }
0x19: {  	s7 =	sld [smem:$0x3F99]  }
0x1a: {  	s8 =	sadd.s32 $0xFFFFE003, lr  }
0x1b: {  	s9 =	sadd.s32 $0xFFFFFEF7, lr;
	s5 =	simm.s32 $0xFFFFFFFF;
	p2 =	slt.u32 s8, $0xFFFFF086  }
0x1c: {  	p1 =	slt.u32 s9, $0xF7A;
	s5 =	simm.s32 @!p2 $0x0  }
0x1d: {  	s5 =	simm.s32 @p1 $0x1;
	p0 =	seq.s32 s7, s2  }
0x1e: {  	s7 =	smul.u32 @!p0 $0xF7A, s2;
	p2 =	seq.s32 @!p0 s5, $0x0  }
0x1f: {  	s9 =	smul.u32 $0xF7A, s1;
	s8 =	simm.s32 @!p0 $0x1BF5;
	p2 =	por !p2, p0  }
0x20: {  	[sflag:s8] =	ssyncset.s32 @!p0 $0xFFFFF086;
	s6 =	sadd.s32 @!p0 s3, s7;
	s7 =	simm.s32 @!p0 $0x108  }
0x21: {  	s3 =	sadd.s32 s3, s9;
	s6 =	sadd.s32 @!p0 $0x88, s6;
	s7 =	simm.s32 @p2 $0x1082  }
0x22: {  	[simem:s7], [sflag:s8] =	dma.local @!p0 [hbm:s6], $0xF7A  }
0x23: {  	s9 =	sor.u32 $0xD0000000, s2;
	s6 =	simm.s32 $0x108;
	_ =	swait.ge @!p0 [sflag:s8], $0x0  }
0x24: {  	s3 =	sadd.s32 $0x88, s3;
	s6 =	simm.s32 @!p1 $0x1082;
	[sflag:s4] =	ssyncset.s32 $0xFFFFF086  }
0x25: {  	[simem:s6], [sflag:s4] =	dma.local [hbm:s3], $0xF7A  }
0x26: {  	[smem:$0x3F99] =	sst s1;
	(tag) =	ssettag s2;
	_ =	strace s9  }
0x27: {  	s1 =	sld [smem:$0x3FA9]  }
0x28: {  	s2 =	sld [smem:$0x3FAA]  }
0x29: {  	s4 =	sld [smem:$0x3FAC]  }
0x2a: {  	p0 =	seq.s32 s5, $0x0;
	s5 =	sld [smem:$0x3FAD]  }
0x2b: {  	s6 =	sld [smem:$0x3FAE]  }
0x2c: {  	s7 =	sld [smem:$0x3FAF]  }
0x2d: {  	s3 =	simm.s32 $0x108;
	s8 =	sld [smem:$0x3FB0]  }
0x2e: {  	s3 =	simm.s32 @!p0 $0x1082;
	s9 =	sld [smem:$0x3FB1]  }
0x2f: {  	lr =	sadd.s32 s0, s3;
	s0 =	sld [smem:$0x3FA8]  }
0x30: {  	s3 =	sld [smem:$0x3FAB]  }
0x31: {  	[smem:$0x3FB4] =	sst s10  }
0x32: {  	s10 =	sld [smem:$0x3FB2];
	_ =	sdelay $0x3  }
0x33: {  	p0 =	seq.s32 s10, $0x1;
	s10 =	sld [smem:$0x3FB4];
	_ =	sdelay $0x3  }
0x34: {  	[smem:$0x3FB4] =	sst s10  }
0x35: {  	s10 =	sld [smem:$0x3FB3];
	_ =	sdelay $0x3  }
0x36: {  	p1 =	seq.s32 s10, $0x1;
	s10 =	sld [smem:$0x3FB4];
	_ =	sdelay $0x3  }
0x37: {  	[smem:$0x3FB4] =	sst s10  }
0x38: {  	s10 =	sld [smem:$0x3FB5]  }
0x39: {  	_ = 	snop;
	(pc) =	sbr.ind lr, $3  }
0x3a: {  	_ = 	snop  }
0x3b: {  	_ = 	snop  }
0x3c: {  	p2 =	seq.s32 s10, $0x1;
	s10 =	sld [smem:$0x3FB4]  }
0x3d: {  	_ =	shalt  }
0x3e: {  	_ =	shalt  }
0x3f: {  	_ =	shalt  }
0x40: {  	_ =	shalt  }
0x41: {  	_ =	shalt  }
0x42: {  	_ =	shalt  }
0x43: {  	_ =	shalt  }
0x44: {  	_ =	shalt  }
0x45: {  	_ =	shalt  }
0x46: {  	_ =	shalt  }
0x47: {  	_ =	shalt  }
0x48: {  	_ =	shalt  }
0x49: {  	_ =	shalt  }
0x4a: {  	_ =	shalt  }
0x4b: {  	_ =	shalt  }
0x4c: {  	_ =	shalt  }
0x4d: {  	_ =	shalt  }
0x4e: {  	_ =	shalt  }
0x4f: {  	_ =	shalt  }
0x50: {  	_ =	shalt  }
0x51: {  	_ =	shalt  }
0x52: {  	_ =	shalt  }
0x53: {  	_ =	shalt  }
0x54: {  	_ =	shalt  }
0x55: {  	_ =	shalt  }
0x56: {  	_ =	shalt  }
0x57: {  	_ =	shalt  }
0x58: {  	_ =	shalt  }
0x59: {  	_ =	shalt  }
0x5a: {  	_ =	shalt  }
0x5b: {  	_ =	shalt  }
0x5c: {  	_ =	shalt  }
0x5d: {  	_ =	shalt  }
0x5e: {  	_ =	shalt  }
0x5f: {  	_ =	shalt  }
0x60: {  	_ =	shalt  }
0x61: {  	_ =	shalt  }
0x62: {  	_ =	shalt  }
0x63: {  	_ =	shalt  }
0x64: {  	_ =	shalt  }
0x65: {  	_ =	shalt  }
0x66: {  	_ =	shalt  }
0x67: {  	_ =	shalt  }
0x68: {  	_ =	shalt  }
0x69: {  	_ =	shalt  }
0x6a: {  	_ =	shalt  }
0x6b: {  	_ =	shalt  }
0x6c: {  	_ =	shalt  }
0x6d: {  	_ =	shalt  }
0x6e: {  	_ =	shalt  }
0x6f: {  	_ =	shalt  }
0x70: {  	_ =	shalt  }
0x71: {  	_ =	shalt  }
0x72: {  	_ =	shalt  }
0x73: {  	_ =	shalt  }
0x74: {  	_ =	shalt  }
0x75: {  	_ =	shalt  }
0x76: {  	_ =	shalt  }
0x77: {  	_ =	shalt  }
0x78: {  	_ =	shalt  }
0x79: {  	_ =	shalt  }
0x7a: {  	_ =	shalt  }
0x7b: {  	_ =	shalt  }
0x7c: {  	_ =	shalt  }
0x7d: {  	_ =	shalt  }
0x7e: {  	_ =	shalt  }
0x7f: {  	_ =	shalt  }
0x80: {  	_ =	shalt  }
0x81: {  	_ =	shalt  }
0x82: {  	_ =	shalt  }
0x83: {  	_ =	shalt  }
0x84: {  	_ =	shalt  }
0x85: {  	_ =	shalt  }
0x86: {  	_ =	shalt  }
0x87: {  	_ =	shalt  }
.Lfunc_end0:
.L_simem_size_0:
called_computation_lowered:
.L_overlay_start_0:
0x88: {  	s2 =	sld [smem:$0x3FD9]  }
0x89: {  	s3 =	sld [smem:$0x3FFE];
	_ =	sdelay $0x1  }
0x8a: {  	s1 =	srdreg.scid  }
0x8b: {  	s0 =	sand.u32 $0x1, s1  }
0x8c: {  	s17 =	sshll.u32 s0, $0xA;
	s2 =	sadd.s32 s3, s2  }
0x8d: {  	s2 =	sadd.s32 s2, s17  }
0x8e: {  	[smem:$0x3FC0] =	sst s2  }
0x8f: {  	_ = 	snop  }
0x90: {  	s2 =	sld [smem:$0x3FC8]  }
0x91: {  	s18 =	sld [smem:$0x3FD0];
	(tm) =	ssettm $0x1  }
0x92: {  	s4 =	sld [smem:$0x3FFB];
	_ =	sdelay $0x3  }
0x93: {  	_ =	strace s4  }
0x94: {  	s4 =	sld [smem:$0x3FFC];
	_ =	sdelay $0x3  }
0x95: {  	_ =	strace s4  }
0x96: {  	s4 =	sld [smem:$0x3FFD];
	_ =	sdelay $0x3  }
0x97: {  	_ =	strace s4  }
0x98: {  	_ =	strace $0x8FFFFFFF  }
0x99: {  	s19 =	sld [smem:$0x3FDB];
	_ =	sdelay $0x1  }
0x9a: {  	s5 =	simm.s32 $_scs_section_size  }
0x9b: {  	s6 =	simm.s32 $_size__tile_overlayer_lowered;
	s7 =	simm.s32 $_tile_overlayer_lowered  }
0x9c: {  	s22 =	simm.s32 $0x1BFF;
	s21 =	sshll.u32 s7, $0x1;
	s4 =	sadd.s32 s5, s19  }
0x9d: {  	s8 =	simm.s32 $0x0;
	s20 =	sshll.u32 s6, $0x1;
	s6 =	sadd.s32 s21, s4  }
0x9e: {  	[timem:s8], [sflag:s22] =	dma.local [hbm:s6], s20  }
0x9f: {  	_ =	swait.ge [sflag:s22], s20  }
0xa0: {  	s5 =	ssub.s32 $0x0, s20;
	[sflag:s22] =	ssyncset.done $0x0  }
0xa1: {  	[sflag:s22] =	ssyncadd.s32 s5;
	_ =	sdelay $0x1  }
0xa2: {  	s23 =	simm.s32 $0x1B8B  }
0xa3: {  	_ =	swait.ge [sflag:s23], $0x1  }
0xa4: {  	[sflag:s23] =	ssyncset.done $0x0  }
0xa5: {  	s25 =	simm.s32 $0x1B8E;
	s24 =	sld [smem:$0x3FFE];
	[sflag:s23] =	ssyncadd.s32 $0xFFFFFFFF  }
0xa6: {  	s26 =	simm.s32 $execute0_lowered;
	[smem:$0x3FD2] =	sst s25  }
0xa7: {  	s6 =	sshll.u32 s26, $0x1;
	_ =	strace $0x80000046;
	[dreg:$0x1] =	wrdreg $0xFFFFFFFF  }
0xa8: {  	s28 =	simm.s32 $_size_execute0_lowered;
	s4 =	sadd.s32 s4, s6;
	[dreg:$0x0] =	wrdreg $0x0  }
0xa9: {  	s6 =	sshll.u32 s28, $0x1;
	[dreg:$0x2] =	wrdreg s4  }
0xaa: {  	[dreg:$0x3] =	wrdreg s6  }
0xab: {  	[dreg:$0x4] =	wrdreg $0xC0  }
0xac: {  	_ =	task [dreg:s8], $0x5FFFF  }
0xad: {  	[dreg:$0x1] =	wrdreg $0xFFFFFFFF  }
0xae: {  	[dreg:$0x0] =	wrdreg $0x60  }
0xaf: {  	[dreg:$0x2] =	wrdreg s2  }
0xb0: {  	[dreg:$0x3] =	wrdreg s18  }
0xb1: {  	[dreg:$0x4] =	wrdreg s24  }
0xb2: {  	[dreg:$0x5] =	wrdreg $0x9  }
0xb3: {  	_ =	task.clear_ibuf [dreg:s8], $0x6FFFF;
	_ =	strace $0x90000046  }
0xb4: {  	s29 =	simm.s32 $0x9;
	_ =	strace $0x80000048  }
0xb5: {  	_ =	swait.ge [sflag:s29], $0x1  }
0xb6: {  	[sflag:s29] =	ssyncadd.s32 $0xFFFFFFFF  }
0xb7: {  	_ =	strace $0x90000048  }
0xb8: {  	_ =	sfence  }
0xb9: {  	s30 =	sld [smem:$0x0];
	_ =	sdelay $0x2  }
0xba: {  	s31 =	sshll.u32 s1, $0xD;
	s1 =	sshrl.u32 s1, $0x2  }
0xbb: {  	s3 =	sand.u32 $0x4000, s31;
	s1 =	sadd.s32 s1, s30  }
0xbc: {  	s0 =	sor.u32 s3, s0;
	s1 =	sshll.u32 s1, $0x11  }
0xbd: {  	s0 =	sor.u32 s1, s0  }
0xbe: {  	s0 =	sadd.s32 $0x8F2B, s0  }
0xbf: {  	[sflag:s0] =	ssyncadd.remote.s32 $0x1  }
0xc0: {  	_ =	sfence.sel $0xFFFF  }
0xc1: {  	[dreg:$0x0] =	wrdreg $0xFFFFFFFF;
	(pc) =	sbr.abs _section_cstart, $3  }
0xc2: {  	[dreg:$0x1] =	wrdreg $0xFFFFFFFF  }
0xc3: {  	_ =	task.clear_ibuf [dreg:s8], $0x2FFFF;
	_ =	strace $0x9FFFFFFF  }
0xc4: {  	(tm) =	ssettm $0x7FFFFFFF  }
0xc5: {  	_ =	shalt  }
tec
execute0_lowered:
.L_overlay_start_1:
0x0: {  	(tag) =	ssettag $0x1  }
0x1: {  	s4 =	rddreg [dreg:$0x0]  }
0x2: {  	s1 =	srdreg.scid;
	s2 =	rddreg [dreg:$0x1]  }
0x3: {  	s0 =	stileid.u32;
	s5 =	rddreg [dreg:$0x2]  }
0x4: {  	s3 =	simm.s32 $0x0;
	s11 =	simm.s32 $0x800;
	s12 =	simm.s32 $0x1080  }
0x5: {  	s13 =	simm.s32 $0x80;
	s14 =	simm.s32 $0x400;
	s15 =	simm.s32 $0x0  }
0x6: {  	s7 =	sand.u32 $0x1, s1;
	s25 =	sshll.u32 s0, $0x1;
	s1 =	rddreg [dreg:$0x3]  }
0x7: {  	s8 =	sshrl.u32 s0, $0x2;
	[smem:$0x7FF] =	sst s3;
	s30 =	sshll.u32 s0, $0xC  }
0x8: {  	s6 =	sor.u32 s7, s25;
	s10 =	sshll.u32 s8, $0xE;
	s8 =	sshll.u32 s8, $0xA  }
0x9: {  	_ =	strace $0x80000047;
	s28 =	ssub.s32 $0x2, s7;
	s9 =	sshll.u32 s6, $0x7  }
0xa: {  	s31 =	sshll.u32 s7, $0xB;
	s29 =	sshrl.u32 s28, $0x1;
	s9 =	sand.u32 $0x380, s9  }
0xb: {  	s6 =	sshll.u32 s6, $0x8;
	s10 =	sor.u32 s10, s9;
	s8 =	sor.u32 s8, s9  }
0xc: {  	s4 =	sadd.s32 s4, s6;
	s10 =	sshrl.u32 s10, $0x3;
	s8 =	sshrl.u32 s8, $0x3  }
0xd: {  	s9 =	simm.s32 $0x1;
	s26 =	sadd.s32 s10, s5;
	s5 =	sadd.s32 s8, s5  }
0xe: {  	s8 =	ssub.s32 s28, s29;
	s10 =	simm.s32 $0x1000;
	s5 =	sadd.s32 $0x2600, s5  }
0xf: {  	v0 =	vlaneseq.u32;
	v1 =	vimm.s32 $0x0;
	s6 =	sadd.s32 $0x600, s26;
	s7 =	smax.u32 s8, $0x1;
	s8 =	sor.u32 s31, s30  }
.LBB2_1:
0x10: {  	[tilespmem:s3], [sflag:$0x1] =	stream.linear.gather [hbm4b:s4+s3], $0x800, $0x38;
	[tilespmem:$0x1100] =	vst v63  }
0x11: {  	_ =	swait.ge [sflag:s9], $0x800  }
0x12: {  	[sflag:s9] =	ssyncset.done $0x0  }
0x13: {  	[sflag:s9] =	ssyncadd.s32 $0xFFFFF800  }
0x14: {  	[tilespmem:s10], [sflag:$0x1] =	stream.linear.gather [hbm4b:s2+s3], $0x80, $0x38;
	[tilespmem:$0x1100] =	vst v63  }
0x15: {  	_ =	swait.ge [sflag:s9], $0x80  }
0x16: {  	[sflag:s9] =	ssyncset.done $0x0  }
0x17: {  	[sflag:s9] =	ssyncadd.s32 $0xFFFFFF80  }
0x18: {  	s16 =	simm.s32 $0x0;
	v2 =	vld [tilespmem:$0x1000]  }
.LBB2_2:
0x19: {  	p0 =	sne.s32 s16, $0x1FC0  }
.Ltmp0:
0x1a: {  	_ = 	snop;
	(pc) =	sbr.rel @p0 .LBB2_2-.Ltmp0, $3  }
0x1b: {  	_ =	sdelay $0x1  }
0x1c: {  	s17 =	sshra.s32 s16, $0x2;
	v3 =	vimm.s32 $0x0  }
0x1d: {  	s16 =	sadd.s32 $0x40, s16;
	[tilespmem:s17+$0x800] =	vst v3  }
0x1e: {  	s16 =	simm.s32 $0x0  }
0x1f: {  	v4 =	vld [tilespmem:s16+$0x0];
	_ =	sdelay $0x4  }
0x20: {  	vm0 =	veq.s32 v4, v2  }
0x21: {  	v4 =	vsel vm0, $0x1, v1  }
0x22: {  	(xrf0) =	vadd.scan.msk.s32 $0xffff, v4;
	_ =	sdelay $0x5  }
0x23: {  	v4, _, _ =	vpop (xrf0)  }
0x24: {  	v5 =	vadd.s32 v4, v3  }
0x25: {  	v5 =	vadd.s32 $0xFFFFFFFF, v5;
	_ =	sdelay $0x2  }
0x26: {  	v4 =	vbroadcast v4, $0xF  }
0x27: {  	v6 =	vor.u32 s8, v0  }
0x28: {  	s18 =	simm.s32 $0x10;
	s17 =	simm.s32 $0x80;
	s16 =	smov.u32 s8;
	v3 =	vadd.s32 v3, v4;
	[tilespmem:v5+s11+$0x0] =	vst.idx.msk vm0, v6  }
.LBB2_4:
0x29: {  	p0 =	sne.s32 s17, $0x1FC0;
	v4 =	vld [tilespmem:s18+$0x0];
	_ =	sdelay $0x4  }
0x2a: {  	vm0 =	veq.s32 v4, v2  }
0x2b: {  	v4 =	vsel vm0, $0x1, v1  }
0x2c: {  	(xrf0) =	vadd.scan.msk.s32 $0xffff, v4;
	_ =	sdelay $0x5  }
0x2d: {  	v4, _, _ =	vpop (xrf0)  }
0x2e: {  	v5 =	vadd.s32 v4, v3;
	v4 =	vbroadcast v4, $0xF  }
0x2f: {  	v5 =	vadd.s32 $0xFFFFFFFF, v5  }
.Ltmp1:
0x30: {  	v3 =	vadd.s32 v3, v4;
	(pc) =	sbr.rel @p0 .LBB2_4-.Ltmp1, $4  }
0x31: {  	_ = 	snop  }
0x32: {  	s16 =	sadd.s32 $0x10, s16  }
0x33: {  	v4 =	vor.u32 s16, v0  }
0x34: {  	s18 =	sshra.s32 s17, $0x2;
	s17 =	sadd.s32 $0x40, s17;
	[tilespmem:v5+s11+$0x0] =	vst.idx.msk vm0, v4  }
0x35: {  	v4 =	vld [tilespmem:s18+$0x0];
	_ =	sdelay $0x4  }
0x36: {  	vm0 =	veq.s32 v4, v2  }
0x37: {  	v2 =	vsel vm0, $0x1, v1  }
0x38: {  	(xrf0) =	vadd.scan.msk.s32 $0xffff, v2;
	_ =	sdelay $0x5  }
0x39: {  	v2, _, _ =	vpop (xrf0)  }
0x3a: {  	v63 =	vadd.s32 v2, v3  }
0x3b: {  	v4 =	vadd.s32 $0xFFFFFFFF, v63;
	_ =	sdelay $0x2  }
0x3c: {  	s16 =	sadd.s32 $0x10, s16;
	v2 =	vbroadcast v2, $0xF  }
0x3d: {  	v5 =	vor.u32 s16, v0  }
0x3e: {  	v2 =	vadd.s32 v3, v2;
	[tilespmem:v4+s11+$0x0] =	vst.idx.msk vm0, v5  }
0x3f: {  	[tilespmem:$0x1080] =	vst v2  }
0x40: {  	[hbm4b:s5+s3] =	stream.linear.scatter [tilespmem:s12], [sflag:$0x1], $0x80, $0x38;
	[tilespmem:$0x1100] =	vst v63  }
0x41: {  	s15 =	sadd.s32 $0x1, s15;
	_ =	swait.ge [sflag:s9], $0x80  }
0x42: {  	p0 =	sne.s32 s15, s7;
	[sflag:s9] =	ssyncset.done $0x0  }
.Ltmp2:
0x43: {  	[sflag:s9] =	ssyncadd.s32 $0xFFFFFF80;
	(pc) =	sbr.rel @p0 .LBB2_1-.Ltmp2, $4  }
0x44: {  	[hbm4b:s6+s13] =	stream.strided.scatter [tilespmem:s11], [sflag:$0x1], $0x800, s14, s13, $0x38;
	[tilespmem:$0x1100] =	vst v63  }
0x45: {  	_ =	swait.ge [sflag:s9], $0x800  }
0x46: {  	[sflag:s9] =	ssyncset.done $0x0  }
0x47: {  	[sflag:s9] =	ssyncadd.s32 $0xFFFFF800  }
0x48: {  	_ =	sfence.sel $0x180000  }
0x49: {  	[bflag:$0x0] =	sbarrier.arrive $0xFFFF  }
0x4a: {  	p0 =	sne.s32 s0, $0x0;
	_ =	strace $0x90000047  }
0x4b: {  	s0 =	sadd.s32 @!p0 $0x100000, s1;
	[bflag:$0x2] =	sbarrier.arrive $0xFFFF  }
0x4c: {  	[sflag:s0] =	ssyncadd.tile.s32 @!p0 $0x1;
	_ =	shalt  }
.Lfunc_end2:
_tile_overlayer_lowered:
.L_overlay_start_2:
0x4d: {  	(tag) =	ssettag $0x2  }
0x4e: {  	s0 =	rddreg [dreg:$0x0];
	s2 =	stileid.u32  }
0x4f: {  	s1 =	rddreg [dreg:$0x1];
	p0 =	sne.s32 s2, $0x0  }
0x50: {  	s3 =	rddreg [dreg:$0x2];
	[bflag:$0x3] =	sbarrier.arrive $0xFFFF;
	s2 =	simm.s32 @!p0 $0x1C01  }
0x51: {  	[timem:s3], [sflag:s2] =	dma.local @!p0 [hbm:s0], s1  }
0x52: {  	s0 =	simm.s32 @!p0 $0x1  }
0x53: {  	_ =	swait.ge @!p0 [sflag:s0], s1  }
0x54: {  	s1 =	ssub.s32 @!p0 $0x0, s1;
	[sflag:s0] =	ssyncset.done @!p0 $0x0  }
0x55: {  	[sflag:s0] =	ssyncadd.s32 @!p0 s1  }
0x56: {  	[bflag:$0x3] =	sbarrier.arrive $0xFFFF  }
0x57: {  	_ =	shalt  }

// kernel: kernel.9.cloned.1.call-start
scs
__scs_entry_jumppad:
0x0: {  	(pc) =	sbr.rel $0x88, $3  }
0x1: {  	(tag) =	ssettag $0x0;
	lr =	simm.s32 $0x1  }
0x2: {  	[smem:$0x3F99] =	sst lr;
	_ =	strace $0xD0000000  }
0x3: {  	_ = 	snop  }
0x4: {  	_ = 	snop  }
0x5: {  	_ = 	snop  }
0x6: {  	_ = 	snop  }
0x7: {  	_ = 	snop  }
__scs_overlays_trampoline_lowered:
0x8: {  	[smem:$0x3FA8] =	sst s0  }
0x9: {  	[smem:$0x3FA9] =	sst s1  }
0xa: {  	[smem:$0x3FAA] =	sst s2  }
0xb: {  	[smem:$0x3FAB] =	sst s3  }
0xc: {  	[smem:$0x3FAC] =	sst s4  }
0xd: {  	[smem:$0x3FAD] =	sst s5  }
0xe: {  	[smem:$0x3FAE] =	sst s6  }
0xf: {  	[smem:$0x3FAF] =	sst s7  }
0x10: {  	[smem:$0x3FB0] =	sst s8  }
0x11: {  	[smem:$0x3FB1] =	sst s9;
	s0 =	simm.s32 @!p0 $0x0  }
0x12: {  	s1 =	sld [smem:$0x3F97];
	s0 =	simm.s32 @p0 $0x1  }
0x13: {  	[smem:$0x3FB2] =	sst s0;
	s0 =	simm.s32 @!p1 $0x0  }
0x14: {  	s2 =	sld [smem:$0x3F96];
	s0 =	simm.s32 @p1 $0x1  }
0x15: {  	[smem:$0x3FB3] =	sst s0;
	s0 =	simm.s32 @!p2 $0x0  }
0x16: {  	s3 =	sld [smem:$0x3FDB];
	s0 =	simm.s32 @p2 $0x1  }
0x17: {  	s4 =	simm.s32 $0x1BF5;
	[smem:$0x3FB5] =	sst s0  }
0x18: {  	s0 =	sld [smem:$0x3F98];
	_ =	swait.ge [sflag:s4], $0x0  }
0x19: {  	s7 =	sld [smem:$0x3F99]  }
0x1a: {  	s8 =	sadd.s32 $0xFFFFE003, lr  }
0x1b: {  	s9 =	sadd.s32 $0xFFFFFEF7, lr;
	s5 =	simm.s32 $0xFFFFFFFF;
	p2 =	slt.u32 s8, $0xFFFFF086  }
0x1c: {  	p1 =	slt.u32 s9, $0xF7A;
	s5 =	simm.s32 @!p2 $0x0  }
0x1d: {  	s5 =	simm.s32 @p1 $0x1;
	p0 =	seq.s32 s7, s2  }
0x1e: {  	s7 =	smul.u32 @!p0 $0xF7A, s2;
	p2 =	seq.s32 @!p0 s5, $0x0  }
0x1f: {  	s9 =	smul.u32 $0xF7A, s1;
	s8 =	simm.s32 @!p0 $0x1BF5;
	p2 =	por !p2, p0  }
0x20: {  	[sflag:s8] =	ssyncset.s32 @!p0 $0xFFFFF086;
	s6 =	sadd.s32 @!p0 s3, s7;
	s7 =	simm.s32 @!p0 $0x108  }
0x21: {  	s3 =	sadd.s32 s3, s9;
	s6 =	sadd.s32 @!p0 $0x88, s6;
	s7 =	simm.s32 @p2 $0x1082  }
0x22: {  	[simem:s7], [sflag:s8] =	dma.local @!p0 [hbm:s6], $0xF7A  }
0x23: {  	s9 =	sor.u32 $0xD0000000, s2;
	s6 =	simm.s32 $0x108;
	_ =	swait.ge @!p0 [sflag:s8], $0x0  }
0x24: {  	s3 =	sadd.s32 $0x88, s3;
	s6 =	simm.s32 @!p1 $0x1082;
	[sflag:s4] =	ssyncset.s32 $0xFFFFF086  }
0x25: {  	[simem:s6], [sflag:s4] =	dma.local [hbm:s3], $0xF7A  }
0x26: {  	[smem:$0x3F99] =	sst s1;
	(tag) =	ssettag s2;
	_ =	strace s9  }
0x27: {  	s1 =	sld [smem:$0x3FA9]  }
0x28: {  	s2 =	sld [smem:$0x3FAA]  }
0x29: {  	s4 =	sld [smem:$0x3FAC]  }
0x2a: {  	p0 =	seq.s32 s5, $0x0;
	s5 =	sld [smem:$0x3FAD]  }
0x2b: {  	s6 =	sld [smem:$0x3FAE]  }
0x2c: {  	s7 =	sld [smem:$0x3FAF]  }
0x2d: {  	s3 =	simm.s32 $0x108;
	s8 =	sld [smem:$0x3FB0]  }
0x2e: {  	s3 =	simm.s32 @!p0 $0x1082;
	s9 =	sld [smem:$0x3FB1]  }
0x2f: {  	lr =	sadd.s32 s0, s3;
	s0 =	sld [smem:$0x3FA8]  }
0x30: {  	s3 =	sld [smem:$0x3FAB]  }
0x31: {  	[smem:$0x3FB4] =	sst s10  }
0x32: {  	s10 =	sld [smem:$0x3FB2];
	_ =	sdelay $0x3  }
0x33: {  	p0 =	seq.s32 s10, $0x1;
	s10 =	sld [smem:$0x3FB4];
	_ =	sdelay $0x3  }
0x34: {  	[smem:$0x3FB4] =	sst s10  }
0x35: {  	s10 =	sld [smem:$0x3FB3];
	_ =	sdelay $0x3  }
0x36: {  	p1 =	seq.s32 s10, $0x1;
	s10 =	sld [smem:$0x3FB4];
	_ =	sdelay $0x3  }
0x37: {  	[smem:$0x3FB4] =	sst s10  }
0x38: {  	s10 =	sld [smem:$0x3FB5]  }
0x39: {  	_ = 	snop;
	(pc) =	sbr.ind lr, $3  }
0x3a: {  	_ = 	snop  }
0x3b: {  	_ = 	snop  }
0x3c: {  	p2 =	seq.s32 s10, $0x1;
	s10 =	sld [smem:$0x3FB4]  }
0x3d: {  	_ =	shalt  }
0x3e: {  	_ =	shalt  }
0x3f: {  	_ =	shalt  }
0x40: {  	_ =	shalt  }
0x41: {  	_ =	shalt  }
0x42: {  	_ =	shalt  }
0x43: {  	_ =	shalt  }
0x44: {  	_ =	shalt  }
0x45: {  	_ =	shalt  }
0x46: {  	_ =	shalt  }
0x47: {  	_ =	shalt  }
0x48: {  	_ =	shalt  }
0x49: {  	_ =	shalt  }
0x4a: {  	_ =	shalt  }
0x4b: {  	_ =	shalt  }
0x4c: {  	_ =	shalt  }
0x4d: {  	_ =	shalt  }
0x4e: {  	_ =	shalt  }
0x4f: {  	_ =	shalt  }
0x50: {  	_ =	shalt  }
0x51: {  	_ =	shalt  }
0x52: {  	_ =	shalt  }
0x53: {  	_ =	shalt  }
0x54: {  	_ =	shalt  }
0x55: {  	_ =	shalt  }
0x56: {  	_ =	shalt  }
0x57: {  	_ =	shalt  }
0x58: {  	_ =	shalt  }
0x59: {  	_ =	shalt  }
0x5a: {  	_ =	shalt  }
0x5b: {  	_ =	shalt  }
0x5c: {  	_ =	shalt  }
0x5d: {  	_ =	shalt  }
0x5e: {  	_ =	shalt  }
0x5f: {  	_ =	shalt  }
0x60: {  	_ =	shalt  }
0x61: {  	_ =	shalt  }
0x62: {  	_ =	shalt  }
0x63: {  	_ =	shalt  }
0x64: {  	_ =	shalt  }
0x65: {  	_ =	shalt  }
0x66: {  	_ =	shalt  }
0x67: {  	_ =	shalt  }
0x68: {  	_ =	shalt  }
0x69: {  	_ =	shalt  }
0x6a: {  	_ =	shalt  }
0x6b: {  	_ =	shalt  }
0x6c: {  	_ =	shalt  }
0x6d: {  	_ =	shalt  }
0x6e: {  	_ =	shalt  }
0x6f: {  	_ =	shalt  }
0x70: {  	_ =	shalt  }
0x71: {  	_ =	shalt  }
0x72: {  	_ =	shalt  }
0x73: {  	_ =	shalt  }
0x74: {  	_ =	shalt  }
0x75: {  	_ =	shalt  }
0x76: {  	_ =	shalt  }
0x77: {  	_ =	shalt  }
0x78: {  	_ =	shalt  }
0x79: {  	_ =	shalt  }
0x7a: {  	_ =	shalt  }
0x7b: {  	_ =	shalt  }
0x7c: {  	_ =	shalt  }
0x7d: {  	_ =	shalt  }
0x7e: {  	_ =	shalt  }
0x7f: {  	_ =	shalt  }
0x80: {  	_ =	shalt  }
0x81: {  	_ =	shalt  }
0x82: {  	_ =	shalt  }
0x83: {  	_ =	shalt  }
0x84: {  	_ =	shalt  }
0x85: {  	_ =	shalt  }
0x86: {  	_ =	shalt  }
0x87: {  	_ =	shalt  }
.Lfunc_end0:
.L_simem_size_0:
called_computation.1_lowered:
.L_overlay_start_0:
0x88: {  	s2 =	sld [smem:$0x3FD9]  }
0x89: {  	s3 =	sld [smem:$0x3FFE];
	_ =	sdelay $0x1  }
0x8a: {  	s1 =	srdreg.scid  }
0x8b: {  	s0 =	sand.u32 $0x1, s1  }
0x8c: {  	s17 =	sshll.u32 s0, $0xA;
	s2 =	sadd.s32 s3, s2  }
0x8d: {  	s2 =	sadd.s32 s2, s17  }
0x8e: {  	[smem:$0x3FC0] =	sst s2  }
0x8f: {  	_ = 	snop  }
0x90: {  	s2 =	sld [smem:$0x3FC9];
	(tm) =	ssettm $0x1  }
0x91: {  	s18 =	sld [smem:$0x3FFB];
	_ =	sdelay $0x3  }
0x92: {  	_ =	strace s18  }
0x93: {  	s3 =	sld [smem:$0x3FFC];
	_ =	sdelay $0x3  }
0x94: {  	_ =	strace s3  }
0x95: {  	s3 =	sld [smem:$0x3FFD];
	_ =	sdelay $0x3  }
0x96: {  	_ =	strace s3  }
0x97: {  	_ =	strace $0x8FFFFFFF  }
0x98: {  	s19 =	sld [smem:$0x3FDB];
	_ =	sdelay $0x1  }
0x99: {  	s4 =	simm.s32 $_scs_section_size  }
0x9a: {  	s5 =	simm.s32 $_size__tile_overlayer_lowered;
	s6 =	simm.s32 $_tile_overlayer_lowered  }
0x9b: {  	s22 =	simm.s32 $0x1BFF;
	s21 =	sshll.u32 s6, $0x1;
	s3 =	sadd.s32 s4, s19  }
0x9c: {  	s7 =	simm.s32 $0x0;
	s20 =	sshll.u32 s5, $0x1;
	s5 =	sadd.s32 s21, s3  }
0x9d: {  	[timem:s7], [sflag:s22] =	dma.local [hbm:s5], s20  }
0x9e: {  	_ =	swait.ge [sflag:s22], s20  }
0x9f: {  	s4 =	ssub.s32 $0x0, s20;
	[sflag:s22] =	ssyncset.done $0x0  }
0xa0: {  	[sflag:s22] =	ssyncadd.s32 s4;
	_ =	sdelay $0x1  }
0xa1: {  	s23 =	simm.s32 $0x1B8B  }
0xa2: {  	_ =	swait.ge [sflag:s23], $0x1  }
0xa3: {  	[sflag:s23] =	ssyncset.done $0x0  }
0xa4: {  	s25 =	simm.s32 $0x1B8E;
	s24 =	sld [smem:$0x3FFE];
	[sflag:s23] =	ssyncadd.s32 $0xFFFFFFFF  }
0xa5: {  	s26 =	simm.s32 $execute0_lowered;
	[smem:$0x3FD2] =	sst s25  }
0xa6: {  	s5 =	sshll.u32 s26, $0x1;
	_ =	strace $0x80000049;
	[dreg:$0x1] =	wrdreg $0xFFFFFFFF  }
0xa7: {  	s28 =	simm.s32 $_size_execute0_lowered;
	s3 =	sadd.s32 s3, s5;
	[dreg:$0x0] =	wrdreg $0x0  }
0xa8: {  	s5 =	sshll.u32 s28, $0x1;
	[dreg:$0x2] =	wrdreg s3  }
0xa9: {  	[dreg:$0x3] =	wrdreg s5  }
0xaa: {  	[dreg:$0x4] =	wrdreg $0xC0  }
0xab: {  	_ =	task [dreg:s7], $0x5FFFF  }
0xac: {  	[dreg:$0x1] =	wrdreg $0xFFFFFFFF  }
0xad: {  	[dreg:$0x0] =	wrdreg $0x60  }
0xae: {  	[dreg:$0x2] =	wrdreg s2  }
0xaf: {  	[dreg:$0x3] =	wrdreg s24  }
0xb0: {  	[dreg:$0x4] =	wrdreg $0x9  }
0xb1: {  	_ =	task.clear_ibuf [dreg:s7], $0x5FFFF;
	_ =	strace $0x90000049  }
0xb2: {  	s29 =	simm.s32 $0x9;
	_ =	strace $0x8000004B  }
0xb3: {  	_ =	swait.ge [sflag:s29], $0x1  }
0xb4: {  	[sflag:s29] =	ssyncadd.s32 $0xFFFFFFFF  }
0xb5: {  	_ =	strace $0x9000004B  }
0xb6: {  	_ =	sfence  }
0xb7: {  	s30 =	sld [smem:$0x0];
	_ =	sdelay $0x2  }
0xb8: {  	s31 =	sshll.u32 s1, $0xD;
	s1 =	sshrl.u32 s1, $0x2  }
0xb9: {  	s3 =	sand.u32 $0x4000, s31;
	s1 =	sadd.s32 s1, s30  }
0xba: {  	s0 =	sor.u32 s3, s0;
	s1 =	sshll.u32 s1, $0x11  }
0xbb: {  	s0 =	sor.u32 s1, s0  }
0xbc: {  	s0 =	sadd.s32 $0x8F2B, s0  }
0xbd: {  	[sflag:s0] =	ssyncadd.remote.s32 $0x1  }
0xbe: {  	_ =	sfence.sel $0xFFFF  }
0xbf: {  	[dreg:$0x0] =	wrdreg $0xFFFFFFFF;
	(pc) =	sbr.abs _section_cstart, $3  }
0xc0: {  	[dreg:$0x1] =	wrdreg $0xFFFFFFFF  }
0xc1: {  	_ =	task.clear_ibuf [dreg:s7], $0x2FFFF;
	_ =	strace $0x9FFFFFFF  }
0xc2: {  	(tm) =	ssettm $0x7FFFFFFF  }
0xc3: {  	_ =	shalt  }
tec
execute0_lowered:
.L_overlay_start_1:
0x0: {  	(tag) =	ssettag $0x1  }
0x1: {  	s1 =	rddreg [dreg:$0x0]  }
0x2: {  	s0 =	rddreg [dreg:$0x1];
	s3 =	simm.s32 $0x0  }
0x3: {  	s2 =	srdreg.scid;
	s5 =	stileid.u32;
	s11 =	simm.s32 $0x80  }
0x4: {  	s12 =	simm.s32 $0x400;
	s13 =	simm.s32 $0xB;
	s14 =	simm.s32 $0x800  }
0x5: {  	s15 =	simm.s32 $0x880;
	s28 =	simm.s32 $0x6100;
	s29 =	simm.s32 $0x6900  }
0x6: {  	s30 =	simm.s32 $0x7100;
	s31 =	simm.s32 $0x7900;
	[smem:$0x7FF] =	sst s3  }
0x7: {  	s2 =	sand.u32 $0x1, s2;
	s4 =	sshll.u32 s5, $0x8;
	s5 =	sshrl.u32 s5, $0x2  }
0x8: {  	s6 =	sshll.u32 s2, $0x7;
	s4 =	sand.u32 $0x300, s4;
	s7 =	sshll.u32 s5, $0xE  }
0x9: {  	s5 =	sshll.u32 s5, $0xA;
	_ =	strace $0x8000004A;
	s24 =	ssub.s32 $0x2, s2  }
0xa: {  	s9 =	sshll.u32 s2, $0x18;
	s2 =	simm.s32 $0x0;
	s4 =	sor.u32 s6, s4  }
0xb: {  	s8 =	sshrl.u32 s24, $0x1;
	s6 =	sor.u32 s7, s4;
	s4 =	sor.u32 s5, s4  }
.Ltmp0:
0xc: {  	s26 =	ssub.s32 s24, s8;
	s8 =	sadd.s32 $0x100, s1;
	(pc) =	sbr.rel .LBB2_1-.Ltmp0, $4  }
0xd: {  	s23 =	sshrl.u32 s6, $0x3;
	s4 =	sshrl.u32 s4, $0x3;
	s10 =	smax.u32 s26, $0x1  }
0xe: {  	v2 =	vlaneseq.u32;
	s26 =	simm.s32 $0x5900;
	s5 =	sadd.s32 s23, s0;
	s25 =	sadd.s32 s4, s0  }
0xf: {  	vm0 =	vmmov $0xffff;
	v1 =	vshrl.u32 v2, $0x3;
	s4 =	sadd.s32 $0x2A00, s0;
	s0 =	simm.s32 $0x8100;
	s5 =	sadd.s32 $0x600, s5  }
0x10: {  	v0 =	vand.u32 $0x7, v2;
	v2 =	vor.u32 $0x8, v2;
	v1 =	vmul.u32 $0x8, v1;
	s6 =	sadd.s32 $0x2600, s25;
	s7 =	sadd.s32 $0x2800, s25;
	s25 =	simm.s32 $0x5100  }
.LBB2_6:
0x11: {  	s16 =	sxor.u32 $0xFFFFFFFF, s16  }
0x12: {  	s16 =	sand.u32 $0x1, s16  }
0x13: {  	s16 =	sadd.s32 $0x9, s16  }
0x14: {  	_ =	swait.ge [sflag:s16], $0x8000  }
0x15: {  	[sflag:s16] =	ssyncset.done $0x0  }
0x16: {  	[sflag:s16] =	ssyncadd.s32 $0xFFFF8000  }
.LBB2_7:
0x17: {  	s2 =	sadd.s32 $0x1, s2  }
0x18: {  	p0 =	sne.s32 s2, s10  }
.Ltmp1:
0x19: {  	_ = 	snop;
	(pc) =	sbr.rel @!p0 .LBB2_8-.Ltmp1, $1  }
0x1a: {  	_ =	sdelay $0x3  }
.LBB2_1:
0x1b: {  	[tilespmem:s3], [sflag:$0xB] =	stream.strided.gather [hbm4b:s5+s11], $0x800, s12, s11, $0x38;
	[tilespmem:$0x10900] =	vst v63  }
0x1c: {  	_ =	swait.ge [sflag:s13], $0x800  }
0x1d: {  	[sflag:s13] =	ssyncset.done $0x0  }
0x1e: {  	[sflag:s13] =	ssyncadd.s32 $0xFFFFF800  }
0x1f: {  	[tilespmem:s14], [sflag:$0xB] =	stream.linear.gather [hbm4b:s6+s3], $0x80, $0x38;
	[tilespmem:$0x10900] =	vst v63  }
0x20: {  	_ =	swait.ge [sflag:s13], $0x80  }
0x21: {  	[sflag:s13] =	ssyncset.done $0x0  }
0x22: {  	[sflag:s13] =	ssyncadd.s32 $0xFFFFFF80  }
0x23: {  	[tilespmem:s15], [sflag:$0xB] =	stream.linear.gather [hbm4b:s7+s3], $0x80, $0x38;
	[tilespmem:$0x10900] =	vst v63  }
0x24: {  	_ =	swait.ge [sflag:s13], $0x80  }
0x25: {  	[sflag:s13] =	ssyncset.done $0x0  }
0x26: {  	[sflag:s13] =	ssyncadd.s32 $0xFFFFFF80  }
0x27: {  	v3 =	vld [tilespmem:$0x800];
	_ =	sdelay $0x3  }
0x28: {  	v4 =	vld [tilespmem:$0x880]  }
0x29: {  	v3 =	vxor.u32 $0x80000000, v3  }
0x2a: {  	(xrf0) =	vmax.scan.msk.u32 $0xffff, v3;
	_ =	sdelay $0x2  }
0x2b: {  	v3 =	vxor.u32 $0x80000000, v4;
	_ =	sdelay $0x2  }
0x2c: {  	(xrf0) =	vmax.scan.msk.u32 $0xffff, v3;
	v3, _, _ =	vpop (xrf0)  }
0x2d: {  	(v2sf) =	vpush v3, $0xF;
	_ =	sdelay $0x6  }
0x2e: {  	v3, _, _ =	vpop (xrf0)  }
0x2f: {  	(v2sf) =	vpush v3, $0xF;
	_ =	sdelay $0x6  }
0x30: {  	s16 =	spop (v2sf)  }
0x31: {  	s16 =	sadd.s32 $0x8000003F, s16  }
0x32: {  	s16 =	sshra.s32 s16, $0x6  }
0x33: {  	p0 =	slt.s32 s16, $0x1  }
.Ltmp2:
0x34: {  	_ = 	snop;
	(pc) =	sbr.rel @p0 .LBB2_7-.Ltmp2, $2  }
0x35: {  	_ =	sdelay $0x2  }
0x36: {  	s18 =	spop (v2sf)  }
0x37: {  	v3 =	vld [tilespmem:$0x0];
	_ =	sdelay $0x4  }
0x38: {  	v4 =	vshll.u32 v3, $0x2  }
0x39: {  	v3 =	vand.u32 $0x7, v3;
	v4 =	vand.u32 $0xFFFFFFE0, v4  }
0x3a: {  	v3 =	vor.u32 v3, v4  }
0x3b: {  	v4 =	vperm.xlane v3, v0;
	_ =	sdelay $0x1  }
0x3c: {  	v4 =	vadd.s32 v1, v4;
	_ =	sdelay $0x1  }
0x3d: {  	v3 =	vperm.xlane v3, v2;
	_ =	sdelay $0x1  }
0x3e: {  	s17 =	simm.s32 $0x0;
	s19 =	simm.s32 $0x900;
	v3 =	vadd.s32 v1, v3  }
0x3f: {  	[tilespmem:s19], [sflag:$0x1] =	stream.indirect_vreg.gather [hbm4b:s1+s17], $0x80, v4, vm0, $0xb8;
	[tilespmem:$0x10900] =	vst v63  }
0x40: {  	s22 =	simm.s32 $0x1100  }
0x41: {  	[tilespmem:s22], [sflag:$0x1] =	stream.indirect_vreg.gather [hbm4b:s8+s17], $0x80, v4, vm0, $0xb8;
	[tilespmem:$0x10900] =	vst v63  }
0x42: {  	s23 =	simm.s32 $0x1900  }
0x43: {  	[tilespmem:s23], [sflag:$0x1] =	stream.indirect_vreg.gather [hbm4b:s1+s17], $0x80, v3, vm0, $0xb8;
	[tilespmem:$0x10900] =	vst v63  }
0x44: {  	s24 =	simm.s32 $0x2100  }
0x45: {  	[tilespmem:s24], [sflag:$0x1] =	stream.indirect_vreg.gather [hbm4b:s8+s17], $0x80, v3, vm0, $0xb8;
	[tilespmem:$0x10900] =	vst v63  }
0x46: {  	v3 =	vld [tilespmem:$0x10];
	_ =	sdelay $0x4  }
0x47: {  	v61 =	vshll.u32 v3, $0x2  }
0x48: {  	v3 =	vand.u32 $0x7, v3;
	v4 =	vand.u32 $0xFFFFFFE0, v61  }
0x49: {  	v3 =	vor.u32 v3, v4  }
0x4a: {  	v4 =	vperm.xlane v3, v0;
	_ =	sdelay $0x1  }
0x4b: {  	v4 =	vadd.s32 v1, v4;
	_ =	sdelay $0x1  }
0x4c: {  	v3 =	vperm.xlane v3, v2;
	_ =	sdelay $0x1  }
0x4d: {  	s20 =	simm.s32 $0x2900;
	v3 =	vadd.s32 v1, v3  }
0x4e: {  	[tilespmem:s20], [sflag:$0x2] =	stream.indirect_vreg.gather [hbm4b:s1+s17], $0x80, v4, vm0, $0xb8;
	[tilespmem:$0x10900] =	vst v63  }
0x4f: {  	s21 =	simm.s32 $0x3100  }
0x50: {  	[tilespmem:s21], [sflag:$0x2] =	stream.indirect_vreg.gather [hbm4b:s8+s17], $0x80, v4, vm0, $0xb8;
	[tilespmem:$0x10900] =	vst v63  }
0x51: {  	s22 =	simm.s32 $0x3900  }
0x52: {  	[tilespmem:s22], [sflag:$0x2] =	stream.indirect_vreg.gather [hbm4b:s1+s17], $0x80, v3, vm0, $0xb8;
	[tilespmem:$0x10900] =	vst v63  }
0x53: {  	s23 =	simm.s32 $0x4100  }
0x54: {  	[tilespmem:s23], [sflag:$0x2] =	stream.indirect_vreg.gather [hbm4b:s8+s17], $0x80, v3, vm0, $0xb8;
	[tilespmem:$0x10900] =	vst v63  }
0x55: {  	v3 =	vld [tilespmem:$0x20];
	_ =	sdelay $0x4  }
0x56: {  	v62 =	vshll.u32 v3, $0x2  }
0x57: {  	v3 =	vand.u32 $0x7, v3;
	v4 =	vand.u32 $0xFFFFFFE0, v62  }
0x58: {  	v3 =	vor.u32 v3, v4  }
0x59: {  	v4 =	vperm.xlane v3, v0;
	_ =	sdelay $0x1  }
0x5a: {  	v4 =	vadd.s32 v1, v4;
	_ =	sdelay $0x1  }
0x5b: {  	v3 =	vperm.xlane v3, v2;
	_ =	sdelay $0x1  }
0x5c: {  	s24 =	simm.s32 $0x4900;
	v3 =	vadd.s32 v1, v3  }
0x5d: {  	[tilespmem:s24], [sflag:$0x3] =	stream.indirect_vreg.gather [hbm4b:s1+s17], $0x80, v4, vm0, $0xb8;
	[tilespmem:$0x10900] =	vst v63  }
0x5e: {  	_ = 	snop  }
0x5f: {  	[tilespmem:s25], [sflag:$0x3] =	stream.indirect_vreg.gather [hbm4b:s8+s17], $0x80, v4, vm0, $0xb8;
	[tilespmem:$0x10900] =	vst v63  }
0x60: {  	_ = 	snop  }
0x61: {  	[tilespmem:s26], [sflag:$0x3] =	stream.indirect_vreg.gather [hbm4b:s1+s17], $0x80, v3, vm0, $0xb8;
	[tilespmem:$0x10900] =	vst v63  }
0x62: {  	_ = 	snop  }
0x63: {  	[tilespmem:s28], [sflag:$0x3] =	stream.indirect_vreg.gather [hbm4b:s8+s17], $0x80, v3, vm0, $0xb8;
	[tilespmem:$0x10900] =	vst v63  }
0x64: {  	v3 =	vld [tilespmem:$0x30];
	_ =	sdelay $0x4  }
0x65: {  	v63 =	vshll.u32 v3, $0x2  }
0x66: {  	v3 =	vand.u32 $0x7, v3;
	v4 =	vand.u32 $0xFFFFFFE0, v63  }
0x67: {  	v3 =	vor.u32 v3, v4  }
0x68: {  	v4 =	vperm.xlane v3, v0;
	_ =	sdelay $0x1  }
0x69: {  	v4 =	vadd.s32 v1, v4;
	_ =	sdelay $0x2  }
0x6a: {  	v3 =	vperm.xlane v3, v2;
	_ =	sdelay $0x1  }
0x6b: {  	v3 =	vadd.s32 v1, v3;
	[tilespmem:s29], [sflag:$0x4] =	stream.indirect_vreg.gather [hbm4b:s1+s17], $0x80, v4, vm0, $0xb8;
	[tilespmem:$0x10900] =	vst v63  }
0x6c: {  	_ = 	snop  }
0x6d: {  	[tilespmem:s30], [sflag:$0x4] =	stream.indirect_vreg.gather [hbm4b:s8+s17], $0x80, v4, vm0, $0xb8;
	[tilespmem:$0x10900] =	vst v63  }
.Ltmp3:
0x6e: {  	_ = 	snop;
	(pc) =	sbr.rel .LBB2_3-.Ltmp3, $4  }
0x6f: {  	s18 =	sshll.u32 s18, $0x9  }
0x70: {  	[tilespmem:s31], [sflag:$0x4] =	stream.indirect_vreg.gather [hbm4b:s1+s17], $0x80, v3, vm0, $0xb8;
	[tilespmem:$0x10900] =	vst v63  }
0x71: {  	s18 =	sadd.s32 s18, s9;
	s19 =	simm.s32 $0x70  }
0x72: {  	[tilespmem:s0], [sflag:$0x4] =	stream.indirect_vreg.gather [hbm4b:s8+s17], $0x80, v3, vm0, $0xb8;
	[tilespmem:$0x10900] =	vst v63  }
.LBB2_5:
0x73: {  	p0 =	sne.s32 s16, s17  }
.Ltmp4:
0x74: {  	_ = 	snop;
	(pc) =	sbr.rel @!p0 .LBB2_6-.Ltmp4, $2  }
0x75: {  	_ =	sdelay $0x2  }
0x76: {  	s18 =	sadd.s32 $0x8000, s18;
	s19 =	sadd.s32 $0x40, s19  }
.LBB2_3:
0x77: {  	s20 =	sand.u32 $0x1, s17  }
0x78: {  	s21 =	sshll.u32 s20, $0x2  }
0x79: {  	s22 =	sor.u32 $0x1, s21  }
0x7a: {  	_ =	swait.ge [sflag:s22], $0x2000  }
0x7b: {  	[sflag:s22] =	ssyncset.done $0x0  }
0x7c: {  	s23 =	sor.u32 $0x2, s21;
	[sflag:s22] =	ssyncadd.s32 $0xFFFFE000  }
0x7d: {  	_ =	swait.ge [sflag:s23], $0x2000  }
0x7e: {  	[sflag:s23] =	ssyncset.done $0x0  }
0x7f: {  	s24 =	sshllo.u32 s20, $0x2;
	[sflag:s23] =	ssyncadd.s32 $0xFFFFE000  }
0x80: {  	_ =	swait.ge [sflag:s24], $0x2000  }
0x81: {  	[sflag:s24] =	ssyncset.done $0x0  }
0x82: {  	s21 =	sadd.s32 $0x4, s21;
	[sflag:s24] =	ssyncadd.s32 $0xFFFFE000  }
0x83: {  	p0 =	seq.s32 s17, $0x0;
	_ =	swait.ge [sflag:s21], $0x2000  }
0x84: {  	s22 =	sxor.u32 @!p0 $0x1, s20;
	[sflag:s21] =	ssyncset.done $0x0  }
0x85: {  	[sflag:s21] =	ssyncadd.s32 $0xFFFFE000;
	s21 =	sadd.s32 @!p0 $0x9, s22  }
0x86: {  	_ =	swait.ge @!p0 [sflag:s21], $0x8000  }
0x87: {  	s17 =	sadd.s32 $0x1, s17;
	[sflag:s21] =	ssyncset.done @!p0 $0x0  }
0x88: {  	[sflag:s21] =	ssyncadd.s32 @!p0 $0xFFFF8000;
	p0 =	sge.s32 s17, s16  }
.Ltmp5:
0x89: {  	_ = 	snop;
	(pc) =	sbr.rel @p0 .LBB2_5-.Ltmp5, $4  }
0x8a: {  	_ = 	snop  }
0x8b: {  	s23 =	sshll.u32 s20, $0xF;
	s24 =	sshrl.u32 s18, $0x3  }
0x8c: {  	s22 =	sadd.s32 s4, s24;
	s21 =	sor.u32 $0x900, s23;
	s23 =	sadd.s32 $0x9, s20  }
0x8d: {  	[hbm4b:s22+s3] =	stream.linear.scatter [tilespmem:s21], [sflag:s23], $0x8000, $0x38;
	[tilespmem:$0x10900] =	vst v63  }
0x8e: {  	v3 =	vld [tilespmem:s19+$0xFFFFFFD0];
	_ =	sdelay $0x4  }
0x8f: {  	v4 =	vshll.u32 v3, $0x2  }
0x90: {  	v3 =	vand.u32 $0x7, v3;
	v4 =	vand.u32 $0xFFFFFFE0, v4  }
0x91: {  	v3 =	vor.u32 v3, v4  }
0x92: {  	v4 =	vperm.xlane v3, v0;
	_ =	sdelay $0x1  }
0x93: {  	v4 =	vadd.s32 v1, v4;
	_ =	sdelay $0x1  }
0x94: {  	s21 =	sxor.u32 $0x1, s20;
	v3 =	vperm.xlane v3, v2  }
0x95: {  	s20 =	sshll.u32 s21, $0xF;
	s22 =	sshll.u32 s21, $0x2  }
0x96: {  	s23 =	sor.u32 $0x900, s20;
	s24 =	sor.u32 $0x1, s22;
	v3 =	vadd.s32 v1, v3  }
0x97: {  	[tilespmem:s23], [sflag:s24] =	stream.indirect_vreg.gather [hbm4b:s1+s3], $0x80, v4, vm0, $0xb8;
	[tilespmem:$0x10900] =	vst v63  }
0x98: {  	s23 =	sor.u32 $0x1100, s20  }
0x99: {  	[tilespmem:s23], [sflag:s24] =	stream.indirect_vreg.gather [hbm4b:s8+s3], $0x80, v4, vm0, $0xb8;
	[tilespmem:$0x10900] =	vst v63  }
0x9a: {  	s23 =	sor.u32 $0x1900, s20  }
0x9b: {  	[tilespmem:s23], [sflag:s24] =	stream.indirect_vreg.gather [hbm4b:s1+s3], $0x80, v3, vm0, $0xb8;
	[tilespmem:$0x10900] =	vst v63  }
0x9c: {  	s23 =	sor.u32 $0x2100, s20  }
0x9d: {  	[tilespmem:s23], [sflag:s24] =	stream.indirect_vreg.gather [hbm4b:s8+s3], $0x80, v3, vm0, $0xb8;
	[tilespmem:$0x10900] =	vst v63  }
0x9e: {  	v3 =	vld [tilespmem:s19+$0xFFFFFFE0];
	_ =	sdelay $0x4  }
0x9f: {  	v61 =	vshll.u32 v3, $0x2  }
0xa0: {  	v3 =	vand.u32 $0x7, v3;
	v4 =	vand.u32 $0xFFFFFFE0, v61  }
0xa1: {  	v3 =	vor.u32 v3, v4  }
0xa2: {  	v4 =	vperm.xlane v3, v0;
	_ =	sdelay $0x1  }
0xa3: {  	v4 =	vadd.s32 v1, v4;
	_ =	sdelay $0x1  }
0xa4: {  	v3 =	vperm.xlane v3, v2;
	_ =	sdelay $0x1  }
0xa5: {  	s23 =	sor.u32 $0x2900, s20;
	s24 =	sor.u32 $0x2, s22;
	v3 =	vadd.s32 v1, v3  }
0xa6: {  	[tilespmem:s23], [sflag:s24] =	stream.indirect_vreg.gather [hbm4b:s1+s3], $0x80, v4, vm0, $0xb8;
	[tilespmem:$0x10900] =	vst v63  }
0xa7: {  	s23 =	sor.u32 $0x3100, s20  }
0xa8: {  	[tilespmem:s23], [sflag:s24] =	stream.indirect_vreg.gather [hbm4b:s8+s3], $0x80, v4, vm0, $0xb8;
	[tilespmem:$0x10900] =	vst v63  }
0xa9: {  	s23 =	sor.u32 $0x3900, s20  }
0xaa: {  	[tilespmem:s23], [sflag:s24] =	stream.indirect_vreg.gather [hbm4b:s1+s3], $0x80, v3, vm0, $0xb8;
	[tilespmem:$0x10900] =	vst v63  }
0xab: {  	s23 =	sor.u32 $0x4100, s20  }
0xac: {  	[tilespmem:s23], [sflag:s24] =	stream.indirect_vreg.gather [hbm4b:s8+s3], $0x80, v3, vm0, $0xb8;
	[tilespmem:$0x10900] =	vst v63  }
0xad: {  	v3 =	vld [tilespmem:s19+$0xFFFFFFF0];
	_ =	sdelay $0x4  }
0xae: {  	v62 =	vshll.u32 v3, $0x2  }
0xaf: {  	v3 =	vand.u32 $0x7, v3;
	v4 =	vand.u32 $0xFFFFFFE0, v62  }
0xb0: {  	v3 =	vor.u32 v3, v4  }
0xb1: {  	v4 =	vperm.xlane v3, v0;
	_ =	sdelay $0x1  }
0xb2: {  	v4 =	vadd.s32 v1, v4;
	_ =	sdelay $0x1  }
0xb3: {  	v3 =	vperm.xlane v3, v2;
	_ =	sdelay $0x1  }
0xb4: {  	s21 =	sshllo.u32 s21, $0x2;
	s24 =	sor.u32 $0x4900, s20;
	v3 =	vadd.s32 v1, v3  }
0xb5: {  	[tilespmem:s24], [sflag:s21] =	stream.indirect_vreg.gather [hbm4b:s1+s3], $0x80, v4, vm0, $0xb8;
	[tilespmem:$0x10900] =	vst v63  }
0xb6: {  	s24 =	sor.u32 $0x5100, s20  }
0xb7: {  	[tilespmem:s24], [sflag:s21] =	stream.indirect_vreg.gather [hbm4b:s8+s3], $0x80, v4, vm0, $0xb8;
	[tilespmem:$0x10900] =	vst v63  }
0xb8: {  	s24 =	sor.u32 $0x5900, s20  }
0xb9: {  	[tilespmem:s24], [sflag:s21] =	stream.indirect_vreg.gather [hbm4b:s1+s3], $0x80, v3, vm0, $0xb8;
	[tilespmem:$0x10900] =	vst v63  }
0xba: {  	s24 =	sor.u32 $0x6100, s20  }
0xbb: {  	[tilespmem:s24], [sflag:s21] =	stream.indirect_vreg.gather [hbm4b:s8+s3], $0x80, v3, vm0, $0xb8;
	[tilespmem:$0x10900] =	vst v63  }
0xbc: {  	v3 =	vld [tilespmem:s19+$0x0];
	_ =	sdelay $0x4  }
0xbd: {  	v63 =	vshll.u32 v3, $0x2  }
0xbe: {  	v3 =	vand.u32 $0x7, v3;
	v4 =	vand.u32 $0xFFFFFFE0, v63  }
0xbf: {  	v3 =	vor.u32 v3, v4  }
0xc0: {  	v4 =	vperm.xlane v3, v0;
	_ =	sdelay $0x1  }
0xc1: {  	v4 =	vadd.s32 v1, v4;
	_ =	sdelay $0x2  }
0xc2: {  	v3 =	vperm.xlane v3, v2  }
0xc3: {  	s22 =	sadd.s32 $0x4, s22;
	s24 =	sor.u32 $0x6900, s20  }
0xc4: {  	v3 =	vadd.s32 v1, v3;
	[tilespmem:s24], [sflag:s22] =	stream.indirect_vreg.gather [hbm4b:s1+s3], $0x80, v4, vm0, $0xb8;
	[tilespmem:$0x10900] =	vst v63  }
0xc5: {  	s23 =	sor.u32 $0x7100, s20  }
0xc6: {  	[tilespmem:s23], [sflag:s22] =	stream.indirect_vreg.gather [hbm4b:s8+s3], $0x80, v4, vm0, $0xb8;
	[tilespmem:$0x10900] =	vst v63  }
.Ltmp6:
0xc7: {  	_ = 	snop;
	(pc) =	sbr.rel .LBB2_5-.Ltmp6, $4  }
0xc8: {  	s24 =	sor.u32 $0x7900, s20  }
0xc9: {  	[tilespmem:s24], [sflag:s22] =	stream.indirect_vreg.gather [hbm4b:s1+s3], $0x80, v3, vm0, $0xb8;
	[tilespmem:$0x10900] =	vst v63  }
0xca: {  	s20 =	sadd.s32 $0x8100, s20  }
0xcb: {  	[tilespmem:s20], [sflag:s22] =	stream.indirect_vreg.gather [hbm4b:s8+s3], $0x80, v3, vm0, $0xb8;
	[tilespmem:$0x10900] =	vst v63  }
.LBB2_8:
0xcc: {  	_ =	sfence.sel $0x180000  }
0xcd: {  	[bflag:$0x0] =	sbarrier.arrive $0xFFFF  }
0xce: {  	_ =	strace $0x9000004A  }
0xcf: {  	s0 =	stileid.u32;
	[bflag:$0x2] =	sbarrier.arrive $0xFFFF  }
0xd0: {  	p0 =	sne.s32 s0, $0x0;
	s0 =	rddreg [dreg:$0x2]  }
0xd1: {  	s0 =	sadd.s32 @!p0 $0x100000, s0  }
0xd2: {  	[sflag:s0] =	ssyncadd.tile.s32 @!p0 $0x1;
	_ =	shalt  }
.Lfunc_end2:
_tile_overlayer_lowered:
.L_overlay_start_2:
0xd3: {  	(tag) =	ssettag $0x2  }
0xd4: {  	s0 =	rddreg [dreg:$0x0];
	s2 =	stileid.u32  }
0xd5: {  	s1 =	rddreg [dreg:$0x1];
	p0 =	sne.s32 s2, $0x0  }
0xd6: {  	s3 =	rddreg [dreg:$0x2];
	[bflag:$0x3] =	sbarrier.arrive $0xFFFF;
	s2 =	simm.s32 @!p0 $0x1C0B  }
0xd7: {  	[timem:s3], [sflag:s2] =	dma.local @!p0 [hbm:s0], s1  }
0xd8: {  	s0 =	simm.s32 @!p0 $0xB  }
0xd9: {  	_ =	swait.ge @!p0 [sflag:s0], s1  }
0xda: {  	s1 =	ssub.s32 @!p0 $0x0, s1;
	[sflag:s0] =	ssyncset.done @!p0 $0x0  }
0xdb: {  	[sflag:s0] =	ssyncadd.s32 @!p0 s1  }
0xdc: {  	[bflag:$0x3] =	sbarrier.arrive $0xFFFF  }
0xdd: {  	_ =	shalt  }

</sc_bundles>
